<compile_context>
chip_gen: v7x
topology: tpu7x:2x2x1
jax: 0.10.2.dev20260603
libtpu: 0.0.44.dev20260713+nightly
codegen_flags: <defaults>
</compile_context>

<pallas_src>
import functools

import jax
import jax.numpy as jnp
import numpy as np
from jax import lax
from jax.experimental import pallas as pl
from jax.experimental.pallas import tpu as pltpu
from jax.experimental.pallas import tpu_sc as plsc

_BATCH = 128

_MASK_BITS = (
    "01101011001111001101111010111111011111111111101111111111111111100111"
    "111011111111111111111101111001110010101100001101000111011011"
)
_KEEP_MASK = np.array([b == "1" for b in _MASK_BITS], dtype=bool)
_IDX = np.nonzero(_KEEP_MASK)[0].astype(np.int32)

_GROUP = 8
_COL_CHUNKS = 8
_LANES = 16


def _step_table(idx):
    delta = idx - np.arange(idx.shape[0], dtype=np.int32)
    starts = np.flatnonzero(np.diff(np.concatenate([[0], delta])) != 0)
    steps = np.diff(np.concatenate([[0], delta[starts]]))
    return [(int(s), int(st)) for s, st in zip(starts, steps)]


_STEPS = _step_table(_IDX)


def _src_runs(idx):
    brk = np.flatnonzero(np.diff(idx) != 1)
    starts = np.concatenate([[0], brk + 1])
    ends = np.concatenate([brk, [idx.shape[0] - 1]])
    return [(int(idx[s]), int(idx[e] - idx[s] + 1)) for s, e in zip(starts, ends)]


_RUNS = _src_runs(_IDX)


@functools.cache
def _gather_fn(keep_size, d_model, num_cores, num_subcores):
    mesh = plsc.VectorSubcoreMesh(core_axis_name="c", subcore_axis_name="s")
    nw = num_cores * num_subcores
    n_groups = keep_size // _GROUP
    chunk = d_model // _COL_CHUNKS
    tasks_per_w = n_groups * _COL_CHUNKS // nw
    groups_per_band = nw // _COL_CHUNKS

    @functools.partial(
        pl.kernel,
        mesh=mesh,
        out_type=jax.ShapeDtypeStruct((keep_size, d_model), jnp.float32),
        scratch_types=[
            pltpu.VMEM((keep_size,), jnp.int32),
        ]
        + [pltpu.VMEM((_GROUP, chunk), jnp.float32) for _ in range(tasks_per_w)]
        + [pltpu.SemaphoreType.DMA, pltpu.SemaphoreType.DMA],
    )
    def k(x_hbm, out_hbm, sidx_v, *bufs_and_sems):
        bufs = bufs_and_sems[:tasks_per_w]
        sem_g, sem_s = bufs_and_sems[tasks_per_w:]
        wid = lax.axis_index("s") * num_cores + lax.axis_index("c")
        gathers = []
        rows = []
        cols = []
        for t in range(tasks_per_w):
            g = wid // _COL_CHUNKS + t * groups_per_band
            row = pl.multiple_of(g * _GROUP, _GROUP)
            col = pl.multiple_of(((wid + t) % _COL_CHUNKS) * chunk, chunk)
            rows.append(row)
            cols.append(col)
            voff = pl.multiple_of((row // _LANES) * _LANES, _LANES)
            dst = lax.iota(jnp.int32, _LANES) + voff
            src = dst
            for start, step in _STEPS:
                src = src + jnp.where(dst >= start, jnp.int32(step), jnp.int32(0))
            sidx_v[pl.ds(voff, _LANES)] = src
            gathers.append(
                pltpu.async_copy(
                    x_hbm.at[sidx_v.at[pl.ds(row, _GROUP)], pl.ds(col, chunk)],
                    bufs[t],
                    sem_g,
                )
            )
        writes = []
        for t in range(tasks_per_w):
            gathers[t].wait()
            writes.append(
                pltpu.async_copy(
                    bufs[t],
                    out_hbm.at[pl.ds(rows[t], _GROUP), pl.ds(cols[t], chunk)],
                    sem_s,
                )
            )
        for w in writes:
            w.wait()

    return k


def kernel(inputs):
    batch_size, d_model = inputs.shape
    assert batch_size == _BATCH, "shapes are fixed by the problem definition"
    keep_size = int(_IDX.shape[0])

    info = plsc.get_sparse_core_info()
    fn = _gather_fn(keep_size, d_model, info.num_cores, info.num_subcores)
    out = fn(inputs)
    row = jnp.arange(batch_size, dtype=jnp.int32)
    kept = jnp.zeros((batch_size,), dtype=jnp.bool_)
    for s, l in _RUNS:
        kept = kept | ((row >= s) & (row < s + l))
    return out, kept

# --- scband reference (transcript-rebuilt; emitter-appended) ---
"""Pipeline reference for scband-slice-path-12395275616838 (READ-ONLY COPY).

The authoritative reference and input builder live on the scoring server;
editing this copy changes nothing except your own understanding.
"""

import jax, jax.numpy as jnp
import numpy as np

RATE = 0.25
SEED = 42


def setup_inputs(seed: int = 0) -> dict:
    key = jax.random.key(seed)
    inputs = jax.random.normal(key, (128, 32768), dtype=jnp.float32)
    return {"inputs": inputs}


def _make_keep_mask(batch_size, keep_size):
    # tf: keep_mask = shuffle(concat(ones[keep], zeros[batch-keep]))
    base = np.zeros((batch_size,), dtype=bool)
    base[:keep_size] = True
    perm = jax.random.permutation(jax.random.key(SEED), batch_size)
    keep_mask = jnp.asarray(base)[perm]
    return keep_mask


def reference(inputs):
    # SlicePath.call with training=True
    batch_size = inputs.shape[0]
    if RATE == 0.0:
        return inputs, jnp.ones((batch_size,), dtype=bool)
    # maybe_slice: keep_size = min(ceil(B*(1-rate)/8)*8, B)
    keep_size = int(np.ceil(batch_size * (1.0 - RATE) / 8.0) * 8.0)
    keep_size = min(keep_size, batch_size)
    if keep_size >= batch_size:
        return inputs, jnp.ones((batch_size,), dtype=bool)
    # apply_slice: boolean-mask gather of kept rows (order preserved)
    keep_mask = _make_keep_mask(batch_size, keep_size)
    idx = jnp.nonzero(keep_mask, size=keep_size)[0]
    outputs = jnp.take(inputs, idx, axis=0)
    return outputs, keep_mask

if __name__ == "__main__":
    import jax
    _d = setup_inputs()
    print(jax.jit(kernel)(*tuple(_d.values())))

</pallas_src>

<mosaic_0001>
#map = affine_map<(d0, d1) -> (0, 0)>
module attributes {stable_mosaic.version = 14 : i64} {
  func.func @k(%arg0: i32, %arg1: i32, %arg2: memref<128x32768xf32, #tpu.memory_space<hbm>>, %arg3: memref<96x32768xf32, #tpu.memory_space<hbm>>, %arg4: memref<96xi32, #tpu.memory_space<vmem>>, %arg5: memref<8x4096xf32, #tpu.memory_space<vmem>>, %arg6: memref<8x4096xf32, #tpu.memory_space<vmem>>, %arg7: memref<8x4096xf32, #tpu.memory_space<vmem>>, %arg8: memref<!tpu.dma_semaphore, #tpu.memory_space<semaphore_mem>>, %arg9: memref<!tpu.dma_semaphore, #tpu.memory_space<semaphore_mem>>) attributes {dimension_semantics = [#tpu.dimension_semantics<core_parallel>, #tpu.dimension_semantics<subcore_parallel>], iteration_bounds = array<i64: 2, 16>, scalar_prefetch = 0 : i64, scratch_operands = 6 : i64, tpu.core_type = #tpu.core_type<sc_vector_subcore>, window_params = [{transform_indices = #map}, {transform_indices = #map}]} {
    %mul3A = arith.constant 2 : i32
    %mul3A_0 = arith.muli %arg1, %mul3A : i32
    %add3A = arith.addi %mul3A_0, %arg0 : i32
    %jit3A = arith.constant 8 : i32
    %div3A = arith.divsi %add3A, %jit3A : i32
    %sign3A = arith.constant 0 : i32
    %sign3A_1 = arith.cmpi sgt, %add3A, %sign3A : i32
    %sign3A_2 = arith.extui %sign3A_1 : i1 to i32
    %sign3A_3 = arith.constant 0 : i32
    %sign3A_4 = arith.cmpi slt, %add3A, %sign3A_3 : i32
    %sign3A_5 = arith.extui %sign3A_4 : i1 to i32
    %sign3A_6 = arith.subi %sign3A_2, %sign3A_5 : i32
    %sign3A_7 = arith.constant 0 : i32
    %sign3A_8 = arith.cmpi sgt, %jit3A, %sign3A_7 : i32
    %sign3A_9 = arith.extui %sign3A_8 : i1 to i32
    %sign3A_10 = arith.constant 0 : i32
    %sign3A_11 = arith.cmpi slt, %jit3A, %sign3A_10 : i32
    %sign3A_12 = arith.extui %sign3A_11 : i1 to i32
    %sign3A_13 = arith.subi %sign3A_9, %sign3A_12 : i32
    %ne3A = arith.cmpi ne, %sign3A_6, %sign3A_13 : i32
    %rem3A = arith.remsi %add3A, %jit3A : i32
    %ne3A_14 = arith.constant 0 : i32
    %ne3A_15 = arith.cmpi ne, %rem3A, %ne3A_14 : i32
    %and3A = arith.andi %ne3A, %ne3A_15 : i1
    %sub3A = arith.constant 1 : i32
    %sub3A_16 = arith.subi %div3A, %sub3A : i32
    %select_n3A = arith.select %and3A, %sub3A_16, %div3A : i32
    %add3A_17 = arith.constant 0 : i32
    %add3A_18 = arith.addi %select_n3A, %add3A_17 : i32
    %mul3A_19 = arith.constant 8 : i32
    %mul3A_20 = arith.muli %add3A_18, %mul3A_19 : i32
    %multiple_of3A = tpu.assume_multiple %mul3A_20, 8 : i32
    %add3A_21 = arith.constant 0 : i32
    %add3A_22 = arith.addi %add3A, %add3A_21 : i32
    %jit3A_23 = arith.constant 8 : i32
    %eq3A = arith.constant 0 : i32
    %eq3A_24 = arith.cmpi eq, %jit3A_23, %eq3A : i32
    %jit3A_25 = arith.constant 1 : i32
    %select_n3A_26 = arith.select %eq3A_24, %jit3A_25, %jit3A_23 : i32
    %rem3A_27 = arith.remsi %add3A_22, %select_n3A_26 : i32
    %ne3A_28 = arith.constant 0 : i32
    %ne3A_29 = arith.cmpi ne, %rem3A_27, %ne3A_28 : i32
    %lt3A = arith.constant 0 : i32
    %lt3A_30 = arith.cmpi slt, %rem3A_27, %lt3A : i32
    %lt3A_31 = arith.constant 0 : i32
    %lt3A_32 = arith.cmpi slt, %select_n3A_26, %lt3A_31 : i32
    %ne3A_33 = arith.xori %lt3A_30, %lt3A_32 : i1
    %and3A_34 = arith.andi %ne3A_33, %ne3A_29 : i1
    %add3A_35 = arith.addi %rem3A_27, %select_n3A_26 : i32
    %select_n3A_36 = arith.select %and3A_34, %add3A_35, %rem3A_27 : i32
    %mul3A_37 = arith.constant 4096 : i32
    %mul3A_38 = arith.muli %select_n3A_36, %mul3A_37 : i32
    %multiple_of3A_39 = tpu.assume_multiple %mul3A_38, 4096 : i32
    %jit3A_40 = arith.constant 16 : i32
    %div3A_41 = arith.divsi %multiple_of3A, %jit3A_40 : i32
    %sign3A_42 = arith.constant 0 : i32
    %sign3A_43 = arith.cmpi sgt, %multiple_of3A, %sign3A_42 : i32
    %sign3A_44 = arith.extui %sign3A_43 : i1 to i32
    %sign3A_45 = arith.constant 0 : i32
    %sign3A_46 = arith.cmpi slt, %multiple_of3A, %sign3A_45 : i32
    %sign3A_47 = arith.extui %sign3A_46 : i1 to i32
    %sign3A_48 = arith.subi %sign3A_44, %sign3A_47 : i32
    %sign3A_49 = arith.constant 0 : i32
    %sign3A_50 = arith.cmpi sgt, %jit3A_40, %sign3A_49 : i32
    %sign3A_51 = arith.extui %sign3A_50 : i1 to i32
    %sign3A_52 = arith.constant 0 : i32
    %sign3A_53 = arith.cmpi slt, %jit3A_40, %sign3A_52 : i32
    %sign3A_54 = arith.extui %sign3A_53 : i1 to i32
    %sign3A_55 = arith.subi %sign3A_51, %sign3A_54 : i32
    %ne3A_56 = arith.cmpi ne, %sign3A_48, %sign3A_55 : i32
    %rem3A_57 = arith.remsi %multiple_of3A, %jit3A_40 : i32
    %ne3A_58 = arith.constant 0 : i32
    %ne3A_59 = arith.cmpi ne, %rem3A_57, %ne3A_58 : i32
    %and3A_60 = arith.andi %ne3A_56, %ne3A_59 : i1
    %sub3A_61 = arith.constant 1 : i32
    %sub3A_62 = arith.subi %div3A_41, %sub3A_61 : i32
    %select_n3A_63 = arith.select %and3A_60, %sub3A_62, %div3A_41 : i32
    %mul3A_64 = arith.constant 16 : i32
    %mul3A_65 = arith.muli %select_n3A_63, %mul3A_64 : i32
    %multiple_of3A_66 = tpu.assume_multiple %mul3A_65, 16 : i32
    %iota3A = tpu.iota {dimensions = array<i32: 0>} : vector<16xi32>
    %add3A_67 = vector.broadcast %multiple_of3A_66 : i32 to vector<16xi32>
    %add3A_68 = arith.addi %iota3A, %add3A_67 : vector<16xi32>
    %ge3A = arith.constant 0 : i32
    %ge3A_69 = vector.broadcast %ge3A : i32 to vector<16xi32>
    %ge3A_70 = arith.cmpi sge, %add3A_68, %ge3A_69 : vector<16xi32>
    %jit3A_71 = arith.constant 1 : i32
    %jit3A_72 = arith.constant 0 : i32
    %broadcast_in_dim3A = vector.broadcast %jit3A_71 : i32 to vector<16xi32>
    %broadcast_in_dim3A_73 = vector.broadcast %jit3A_72 : i32 to vector<16xi32>
    %select_n3A_74 = arith.select %ge3A_70, %broadcast_in_dim3A, %broadcast_in_dim3A_73 : vector<16xi1>, vector<16xi32>
    %add3A_75 = arith.addi %add3A_68, %select_n3A_74 : vector<16xi32>
    %ge3A_76 = arith.constant 2 : i32
    %ge3A_77 = vector.broadcast %ge3A_76 : i32 to vector<16xi32>
    %ge3A_78 = arith.cmpi sge, %add3A_68, %ge3A_77 : vector<16xi32>
    %jit3A_79 = arith.constant 1 : i32
    %jit3A_80 = arith.constant 0 : i32
    %broadcast_in_dim3A_81 = vector.broadcast %jit3A_79 : i32 to vector<16xi32>
    %broadcast_in_dim3A_82 = vector.broadcast %jit3A_80 : i32 to vector<16xi32>
    %select_n3A_83 = arith.select %ge3A_78, %broadcast_in_dim3A_81, %broadcast_in_dim3A_82 : vector<16xi1>, vector<16xi32>
    %add3A_84 = arith.addi %add3A_75, %select_n3A_83 : vector<16xi32>
    %ge3A_85 = arith.constant 3 : i32
    %ge3A_86 = vector.broadcast %ge3A_85 : i32 to vector<16xi32>
    %ge3A_87 = arith.cmpi sge, %add3A_68, %ge3A_86 : vector<16xi32>
    %jit3A_88 = arith.constant 1 : i32
    %jit3A_89 = arith.constant 0 : i32
    %broadcast_in_dim3A_90 = vector.broadcast %jit3A_88 : i32 to vector<16xi32>
    %broadcast_in_dim3A_91 = vector.broadcast %jit3A_89 : i32 to vector<16xi32>
    %select_n3A_92 = arith.select %ge3A_87, %broadcast_in_dim3A_90, %broadcast_in_dim3A_91 : vector<16xi1>, vector<16xi32>
    %add3A_93 = arith.addi %add3A_84, %select_n3A_92 : vector<16xi32>
    %ge3A_94 = arith.constant 5 : i32
    %ge3A_95 = vector.broadcast %ge3A_94 : i32 to vector<16xi32>
    %ge3A_96 = arith.cmpi sge, %add3A_68, %ge3A_95 : vector<16xi32>
    %jit3A_97 = arith.constant 2 : i32
    %jit3A_98 = arith.constant 0 : i32
    %broadcast_in_dim3A_99 = vector.broadcast %jit3A_97 : i32 to vector<16xi32>
    %broadcast_in_dim3A_100 = vector.broadcast %jit3A_98 : i32 to vector<16xi32>
    %select_n3A_101 = arith.select %ge3A_96, %broadcast_in_dim3A_99, %broadcast_in_dim3A_100 : vector<16xi1>, vector<16xi32>
    %add3A_102 = arith.addi %add3A_93, %select_n3A_101 : vector<16xi32>
    %ge3A_103 = arith.constant 9 : i32
    %ge3A_104 = vector.broadcast %ge3A_103 : i32 to vector<16xi32>
    %ge3A_105 = arith.cmpi sge, %add3A_68, %ge3A_104 : vector<16xi32>
    %jit3A_106 = arith.constant 2 : i32
    %jit3A_107 = arith.constant 0 : i32
    %broadcast_in_dim3A_108 = vector.broadcast %jit3A_106 : i32 to vector<16xi32>
    %broadcast_in_dim3A_109 = vector.broadcast %jit3A_107 : i32 to vector<16xi32>
    %select_n3A_110 = arith.select %ge3A_105, %broadcast_in_dim3A_108, %broadcast_in_dim3A_109 : vector<16xi1>, vector<16xi32>
    %add3A_111 = arith.addi %add3A_102, %select_n3A_110 : vector<16xi32>
    %ge3A_112 = arith.constant 11 : i32
    %ge3A_113 = vector.broadcast %ge3A_112 : i32 to vector<16xi32>
    %ge3A_114 = arith.cmpi sge, %add3A_68, %ge3A_113 : vector<16xi32>
    %jit3A_115 = arith.constant 1 : i32
    %jit3A_116 = arith.constant 0 : i32
    %broadcast_in_dim3A_117 = vector.broadcast %jit3A_115 : i32 to vector<16xi32>
    %broadcast_in_dim3A_118 = vector.broadcast %jit3A_116 : i32 to vector<16xi32>
    %select_n3A_119 = arith.select %ge3A_114, %broadcast_in_dim3A_117, %broadcast_in_dim3A_118 : vector<16xi1>, vector<16xi32>
    %add3A_120 = arith.addi %add3A_111, %select_n3A_119 : vector<16xi32>
    %ge3A_121 = arith.constant 15 : i32
    %ge3A_122 = vector.broadcast %ge3A_121 : i32 to vector<16xi32>
    %ge3A_123 = arith.cmpi sge, %add3A_68, %ge3A_122 : vector<16xi32>
    %jit3A_124 = arith.constant 1 : i32
    %jit3A_125 = arith.constant 0 : i32
    %broadcast_in_dim3A_126 = vector.broadcast %jit3A_124 : i32 to vector<16xi32>
    %broadcast_in_dim3A_127 = vector.broadcast %jit3A_125 : i32 to vector<16xi32>
    %select_n3A_128 = arith.select %ge3A_123, %broadcast_in_dim3A_126, %broadcast_in_dim3A_127 : vector<16xi1>, vector<16xi32>
    %add3A_129 = arith.addi %add3A_120, %select_n3A_128 : vector<16xi32>
    %ge3A_130 = arith.constant 16 : i32
    %ge3A_131 = vector.broadcast %ge3A_130 : i32 to vector<16xi32>
    %ge3A_132 = arith.cmpi sge, %add3A_68, %ge3A_131 : vector<16xi32>
    %jit3A_133 = arith.constant 1 : i32
    %jit3A_134 = arith.constant 0 : i32
    %broadcast_in_dim3A_135 = vector.broadcast %jit3A_133 : i32 to vector<16xi32>
    %broadcast_in_dim3A_136 = vector.broadcast %jit3A_134 : i32 to vector<16xi32>
    %select_n3A_137 = arith.select %ge3A_132, %broadcast_in_dim3A_135, %broadcast_in_dim3A_136 : vector<16xi1>, vector<16xi32>
    %add3A_138 = arith.addi %add3A_129, %select_n3A_137 : vector<16xi32>
    %ge3A_139 = arith.constant 22 : i32
    %ge3A_140 = vector.broadcast %ge3A_139 : i32 to vector<16xi32>
    %ge3A_141 = arith.cmpi sge, %add3A_68, %ge3A_140 : vector<16xi32>
    %jit3A_142 = arith.constant 1 : i32
    %jit3A_143 = arith.constant 0 : i32
    %broadcast_in_dim3A_144 = vector.broadcast %jit3A_142 : i32 to vector<16xi32>
    %broadcast_in_dim3A_145 = vector.broadcast %jit3A_143 : i32 to vector<16xi32>
    %select_n3A_146 = arith.select %ge3A_141, %broadcast_in_dim3A_144, %broadcast_in_dim3A_145 : vector<16xi1>, vector<16xi32>
    %add3A_147 = arith.addi %add3A_138, %select_n3A_146 : vector<16xi32>
    %ge3A_148 = arith.constant 34 : i32
    %ge3A_149 = vector.broadcast %ge3A_148 : i32 to vector<16xi32>
    %ge3A_150 = arith.cmpi sge, %add3A_68, %ge3A_149 : vector<16xi32>
    %jit3A_151 = arith.constant 1 : i32
    %jit3A_152 = arith.constant 0 : i32
    %broadcast_in_dim3A_153 = vector.broadcast %jit3A_151 : i32 to vector<16xi32>
    %broadcast_in_dim3A_154 = vector.broadcast %jit3A_152 : i32 to vector<16xi32>
    %select_n3A_155 = arith.select %ge3A_150, %broadcast_in_dim3A_153, %broadcast_in_dim3A_154 : vector<16xi1>, vector<16xi32>
    %add3A_156 = arith.addi %add3A_147, %select_n3A_155 : vector<16xi32>
    %ge3A_157 = arith.constant 51 : i32
    %ge3A_158 = vector.broadcast %ge3A_157 : i32 to vector<16xi32>
    %ge3A_159 = arith.cmpi sge, %add3A_68, %ge3A_158 : vector<16xi32>
    %jit3A_160 = arith.constant 2 : i32
    %jit3A_161 = arith.constant 0 : i32
    %broadcast_in_dim3A_162 = vector.broadcast %jit3A_160 : i32 to vector<16xi32>
    %broadcast_in_dim3A_163 = vector.broadcast %jit3A_161 : i32 to vector<16xi32>
    %select_n3A_164 = arith.select %ge3A_159, %broadcast_in_dim3A_162, %broadcast_in_dim3A_163 : vector<16xi1>, vector<16xi32>
    %add3A_165 = arith.addi %add3A_156, %select_n3A_164 : vector<16xi32>
    %ge3A_166 = arith.constant 57 : i32
    %ge3A_167 = vector.broadcast %ge3A_166 : i32 to vector<16xi32>
    %ge3A_168 = arith.cmpi sge, %add3A_68, %ge3A_167 : vector<16xi32>
    %jit3A_169 = arith.constant 1 : i32
    %jit3A_170 = arith.constant 0 : i32
    %broadcast_in_dim3A_171 = vector.broadcast %jit3A_169 : i32 to vector<16xi32>
    %broadcast_in_dim3A_172 = vector.broadcast %jit3A_170 : i32 to vector<16xi32>
    %select_n3A_173 = arith.select %ge3A_168, %broadcast_in_dim3A_171, %broadcast_in_dim3A_172 : vector<16xi1>, vector<16xi32>
    %add3A_174 = arith.addi %add3A_165, %select_n3A_173 : vector<16xi32>
    %ge3A_175 = arith.constant 75 : i32
    %ge3A_176 = vector.broadcast %ge3A_175 : i32 to vector<16xi32>
    %ge3A_177 = arith.cmpi sge, %add3A_68, %ge3A_176 : vector<16xi32>
    %jit3A_178 = arith.constant 1 : i32
    %jit3A_179 = arith.constant 0 : i32
    %broadcast_in_dim3A_180 = vector.broadcast %jit3A_178 : i32 to vector<16xi32>
    %broadcast_in_dim3A_181 = vector.broadcast %jit3A_179 : i32 to vector<16xi32>
    %select_n3A_182 = arith.select %ge3A_177, %broadcast_in_dim3A_180, %broadcast_in_dim3A_181 : vector<16xi1>, vector<16xi32>
    %add3A_183 = arith.addi %add3A_174, %select_n3A_182 : vector<16xi32>
    %ge3A_184 = arith.constant 79 : i32
    %ge3A_185 = vector.broadcast %ge3A_184 : i32 to vector<16xi32>
    %ge3A_186 = arith.cmpi sge, %add3A_68, %ge3A_185 : vector<16xi32>
    %jit3A_187 = arith.constant 2 : i32
    %jit3A_188 = arith.constant 0 : i32
    %broadcast_in_dim3A_189 = vector.broadcast %jit3A_187 : i32 to vector<16xi32>
    %broadcast_in_dim3A_190 = vector.broadcast %jit3A_188 : i32 to vector<16xi32>
    %select_n3A_191 = arith.select %ge3A_186, %broadcast_in_dim3A_189, %broadcast_in_dim3A_190 : vector<16xi1>, vector<16xi32>
    %add3A_192 = arith.addi %add3A_183, %select_n3A_191 : vector<16xi32>
    %ge3A_193 = arith.constant 82 : i32
    %ge3A_194 = vector.broadcast %ge3A_193 : i32 to vector<16xi32>
    %ge3A_195 = arith.cmpi sge, %add3A_68, %ge3A_194 : vector<16xi32>
    %jit3A_196 = arith.constant 2 : i32
    %jit3A_197 = arith.constant 0 : i32
    %broadcast_in_dim3A_198 = vector.broadcast %jit3A_196 : i32 to vector<16xi32>
    %broadcast_in_dim3A_199 = vector.broadcast %jit3A_197 : i32 to vector<16xi32>
    %select_n3A_200 = arith.select %ge3A_195, %broadcast_in_dim3A_198, %broadcast_in_dim3A_199 : vector<16xi1>, vector<16xi32>
    %add3A_201 = arith.addi %add3A_192, %select_n3A_200 : vector<16xi32>
    %ge3A_202 = arith.constant 83 : i32
    %ge3A_203 = vector.broadcast %ge3A_202 : i32 to vector<16xi32>
    %ge3A_204 = arith.cmpi sge, %add3A_68, %ge3A_203 : vector<16xi32>
    %jit3A_205 = arith.constant 1 : i32
    %jit3A_206 = arith.constant 0 : i32
    %broadcast_in_dim3A_207 = vector.broadcast %jit3A_205 : i32 to vector<16xi32>
    %broadcast_in_dim3A_208 = vector.broadcast %jit3A_206 : i32 to vector<16xi32>
    %select_n3A_209 = arith.select %ge3A_204, %broadcast_in_dim3A_207, %broadcast_in_dim3A_208 : vector<16xi1>, vector<16xi32>
    %add3A_210 = arith.addi %add3A_201, %select_n3A_209 : vector<16xi32>
    %ge3A_211 = arith.constant 84 : i32
    %ge3A_212 = vector.broadcast %ge3A_211 : i32 to vector<16xi32>
    %ge3A_213 = arith.cmpi sge, %add3A_68, %ge3A_212 : vector<16xi32>
    %jit3A_214 = arith.constant 1 : i32
    %jit3A_215 = arith.constant 0 : i32
    %broadcast_in_dim3A_216 = vector.broadcast %jit3A_214 : i32 to vector<16xi32>
    %broadcast_in_dim3A_217 = vector.broadcast %jit3A_215 : i32 to vector<16xi32>
    %select_n3A_218 = arith.select %ge3A_213, %broadcast_in_dim3A_216, %broadcast_in_dim3A_217 : vector<16xi1>, vector<16xi32>
    %add3A_219 = arith.addi %add3A_210, %select_n3A_218 : vector<16xi32>
    %ge3A_220 = arith.constant 86 : i32
    %ge3A_221 = vector.broadcast %ge3A_220 : i32 to vector<16xi32>
    %ge3A_222 = arith.cmpi sge, %add3A_68, %ge3A_221 : vector<16xi32>
    %jit3A_223 = arith.constant 4 : i32
    %jit3A_224 = arith.constant 0 : i32
    %broadcast_in_dim3A_225 = vector.broadcast %jit3A_223 : i32 to vector<16xi32>
    %broadcast_in_dim3A_226 = vector.broadcast %jit3A_224 : i32 to vector<16xi32>
    %select_n3A_227 = arith.select %ge3A_222, %broadcast_in_dim3A_225, %broadcast_in_dim3A_226 : vector<16xi1>, vector<16xi32>
    %add3A_228 = arith.addi %add3A_219, %select_n3A_227 : vector<16xi32>
    %ge3A_229 = arith.constant 88 : i32
    %ge3A_230 = vector.broadcast %ge3A_229 : i32 to vector<16xi32>
    %ge3A_231 = arith.cmpi sge, %add3A_68, %ge3A_230 : vector<16xi32>
    %jit3A_232 = arith.constant 1 : i32
    %jit3A_233 = arith.constant 0 : i32
    %broadcast_in_dim3A_234 = vector.broadcast %jit3A_232 : i32 to vector<16xi32>
    %broadcast_in_dim3A_235 = vector.broadcast %jit3A_233 : i32 to vector<16xi32>
    %select_n3A_236 = arith.select %ge3A_231, %broadcast_in_dim3A_234, %broadcast_in_dim3A_235 : vector<16xi1>, vector<16xi32>
    %add3A_237 = arith.addi %add3A_228, %select_n3A_236 : vector<16xi32>
    %ge3A_238 = arith.constant 89 : i32
    %ge3A_239 = vector.broadcast %ge3A_238 : i32 to vector<16xi32>
    %ge3A_240 = arith.cmpi sge, %add3A_68, %ge3A_239 : vector<16xi32>
    %jit3A_241 = arith.constant 3 : i32
    %jit3A_242 = arith.constant 0 : i32
    %broadcast_in_dim3A_243 = vector.broadcast %jit3A_241 : i32 to vector<16xi32>
    %broadcast_in_dim3A_244 = vector.broadcast %jit3A_242 : i32 to vector<16xi32>
    %select_n3A_245 = arith.select %ge3A_240, %broadcast_in_dim3A_243, %broadcast_in_dim3A_244 : vector<16xi1>, vector<16xi32>
    %add3A_246 = arith.addi %add3A_237, %select_n3A_245 : vector<16xi32>
    %ge3A_247 = arith.constant 92 : i32
    %ge3A_248 = vector.broadcast %ge3A_247 : i32 to vector<16xi32>
    %ge3A_249 = arith.cmpi sge, %add3A_68, %ge3A_248 : vector<16xi32>
    %jit3A_250 = arith.constant 1 : i32
    %jit3A_251 = arith.constant 0 : i32
    %broadcast_in_dim3A_252 = vector.broadcast %jit3A_250 : i32 to vector<16xi32>
    %broadcast_in_dim3A_253 = vector.broadcast %jit3A_251 : i32 to vector<16xi32>
    %select_n3A_254 = arith.select %ge3A_249, %broadcast_in_dim3A_252, %broadcast_in_dim3A_253 : vector<16xi1>, vector<16xi32>
    %add3A_255 = arith.addi %add3A_246, %select_n3A_254 : vector<16xi32>
    %ge3A_256 = arith.constant 94 : i32
    %ge3A_257 = vector.broadcast %ge3A_256 : i32 to vector<16xi32>
    %ge3A_258 = arith.cmpi sge, %add3A_68, %ge3A_257 : vector<16xi32>
    %jit3A_259 = arith.constant 1 : i32
    %jit3A_260 = arith.constant 0 : i32
    %broadcast_in_dim3A_261 = vector.broadcast %jit3A_259 : i32 to vector<16xi32>
    %broadcast_in_dim3A_262 = vector.broadcast %jit3A_260 : i32 to vector<16xi32>
    %select_n3A_263 = arith.select %ge3A_258, %broadcast_in_dim3A_261, %broadcast_in_dim3A_262 : vector<16xi1>, vector<16xi32>
    %add3A_264 = arith.addi %add3A_255, %select_n3A_263 : vector<16xi32>
    %swap3A = arith.index_cast %multiple_of3A_66 : i32 to index
    %swap3A_265 = tpu.vector_load %arg4[%swap3A] {strides = array<i32>} : memref<96xi32, #tpu.memory_space<vmem>>, vector<16xi32>,
    %swap3A_266 = vector.shape_cast %swap3A_265 : vector<16xi32> to vector<16xi32>
    %swap3A_267 = vector.shape_cast %add3A_264 : vector<16xi32> to vector<16xi32>
    tpu.vector_store %arg4[%swap3A], %swap3A_267 {strides = array<i32>} : memref<96xi32, #tpu.memory_space<vmem>>, vector<16xi32>,
    %dma_start3A = tpu.memref_slice %arg4[%multiple_of3A] : memref<96xi32, #tpu.memory_space<vmem>> -> memref<8xi32, #tpu.memory_space<vmem>>
    %dma_start3A_268 = arith.constant 0 : i32
    %dma_start3A_269 = tpu.memref_slice %arg2[%dma_start3A_268, %multiple_of3A_39] : memref<128x32768xf32, #tpu.memory_space<hbm>> -> memref<128x4096xf32, #tpu.memory_space<hbm>>
    tpu.enqueue_indirect_dma source(%dma_start3A_269 : memref<128x4096xf32, #tpu.memory_space<hbm>>) target(%arg5 : memref<8x4096xf32, #tpu.memory_space<vmem>>) offsets(%dma_start3A : memref<8xi32, #tpu.memory_space<vmem>>) semaphore(%arg8 : memref<!tpu.dma_semaphore, #tpu.memory_space<semaphore_mem>>)
    %jit3A_270 = arith.constant 8 : i32
    %div3A_271 = arith.divsi %add3A, %jit3A_270 : i32
    %sign3A_272 = arith.constant 0 : i32
    %sign3A_273 = arith.cmpi sgt, %add3A, %sign3A_272 : i32
    %sign3A_274 = arith.extui %sign3A_273 : i1 to i32
    %sign3A_275 = arith.constant 0 : i32
    %sign3A_276 = arith.cmpi slt, %add3A, %sign3A_275 : i32
    %sign3A_277 = arith.extui %sign3A_276 : i1 to i32
    %sign3A_278 = arith.subi %sign3A_274, %sign3A_277 : i32
    %sign3A_279 = arith.constant 0 : i32
    %sign3A_280 = arith.cmpi sgt, %jit3A_270, %sign3A_279 : i32
    %sign3A_281 = arith.extui %sign3A_280 : i1 to i32
    %sign3A_282 = arith.constant 0 : i32
    %sign3A_283 = arith.cmpi slt, %jit3A_270, %sign3A_282 : i32
    %sign3A_284 = arith.extui %sign3A_283 : i1 to i32
    %sign3A_285 = arith.subi %sign3A_281, %sign3A_284 : i32
    %ne3A_286 = arith.cmpi ne, %sign3A_278, %sign3A_285 : i32
    %rem3A_287 = arith.remsi %add3A, %jit3A_270 : i32
    %ne3A_288 = arith.constant 0 : i32
    %ne3A_289 = arith.cmpi ne, %rem3A_287, %ne3A_288 : i32
    %and3A_290 = arith.andi %ne3A_286, %ne3A_289 : i1
    %sub3A_291 = arith.constant 1 : i32
    %sub3A_292 = arith.subi %div3A_271, %sub3A_291 : i32
    %select_n3A_293 = arith.select %and3A_290, %sub3A_292, %div3A_271 : i32
    %add3A_294 = arith.constant 4 : i32
    %add3A_295 = arith.addi %select_n3A_293, %add3A_294 : i32
    %mul3A_296 = arith.constant 8 : i32
    %mul3A_297 = arith.muli %add3A_295, %mul3A_296 : i32
    %multiple_of3A_298 = tpu.assume_multiple %mul3A_297, 8 : i32
    %add3A_299 = arith.constant 1 : i32
    %add3A_300 = arith.addi %add3A, %add3A_299 : i32
    %jit3A_301 = arith.constant 8 : i32
    %eq3A_302 = arith.constant 0 : i32
    %eq3A_303 = arith.cmpi eq, %jit3A_301, %eq3A_302 : i32
    %jit3A_304 = arith.constant 1 : i32
    %select_n3A_305 = arith.select %eq3A_303, %jit3A_304, %jit3A_301 : i32
    %rem3A_306 = arith.remsi %add3A_300, %select_n3A_305 : i32
    %ne3A_307 = arith.constant 0 : i32
    %ne3A_308 = arith.cmpi ne, %rem3A_306, %ne3A_307 : i32
    %lt3A_309 = arith.constant 0 : i32
    %lt3A_310 = arith.cmpi slt, %rem3A_306, %lt3A_309 : i32
    %lt3A_311 = arith.constant 0 : i32
    %lt3A_312 = arith.cmpi slt, %select_n3A_305, %lt3A_311 : i32
    %ne3A_313 = arith.xori %lt3A_310, %lt3A_312 : i1
    %and3A_314 = arith.andi %ne3A_313, %ne3A_308 : i1
    %add3A_315 = arith.addi %rem3A_306, %select_n3A_305 : i32
    %select_n3A_316 = arith.select %and3A_314, %add3A_315, %rem3A_306 : i32
    %mul3A_317 = arith.constant 4096 : i32
    %mul3A_318 = arith.muli %select_n3A_316, %mul3A_317 : i32
    %multiple_of3A_319 = tpu.assume_multiple %mul3A_318, 4096 : i32
    %jit3A_320 = arith.constant 16 : i32
    %div3A_321 = arith.divsi %multiple_of3A_298, %jit3A_320 : i32
    %sign3A_322 = arith.constant 0 : i32
    %sign3A_323 = arith.cmpi sgt, %multiple_of3A_298, %sign3A_322 : i32
    %sign3A_324 = arith.extui %sign3A_323 : i1 to i32
    %sign3A_325 = arith.constant 0 : i32
    %sign3A_326 = arith.cmpi slt, %multiple_of3A_298, %sign3A_325 : i32
    %sign3A_327 = arith.extui %sign3A_326 : i1 to i32
    %sign3A_328 = arith.subi %sign3A_324, %sign3A_327 : i32
    %sign3A_329 = arith.constant 0 : i32
    %sign3A_330 = arith.cmpi sgt, %jit3A_320, %sign3A_329 : i32
    %sign3A_331 = arith.extui %sign3A_330 : i1 to i32
    %sign3A_332 = arith.constant 0 : i32
    %sign3A_333 = arith.cmpi slt, %jit3A_320, %sign3A_332 : i32
    %sign3A_334 = arith.extui %sign3A_333 : i1 to i32
    %sign3A_335 = arith.subi %sign3A_331, %sign3A_334 : i32
    %ne3A_336 = arith.cmpi ne, %sign3A_328, %sign3A_335 : i32
    %rem3A_337 = arith.remsi %multiple_of3A_298, %jit3A_320 : i32
    %ne3A_338 = arith.constant 0 : i32
    %ne3A_339 = arith.cmpi ne, %rem3A_337, %ne3A_338 : i32
    %and3A_340 = arith.andi %ne3A_336, %ne3A_339 : i1
    %sub3A_341 = arith.constant 1 : i32
    %sub3A_342 = arith.subi %div3A_321, %sub3A_341 : i32
    %select_n3A_343 = arith.select %and3A_340, %sub3A_342, %div3A_321 : i32
    %mul3A_344 = arith.constant 16 : i32
    %mul3A_345 = arith.muli %select_n3A_343, %mul3A_344 : i32
    %multiple_of3A_346 = tpu.assume_multiple %mul3A_345, 16 : i32
    %iota3A_347 = tpu.iota {dimensions = array<i32: 0>} : vector<16xi32>
    %add3A_348 = vector.broadcast %multiple_of3A_346 : i32 to vector<16xi32>
    %add3A_349 = arith.addi %iota3A_347, %add3A_348 : vector<16xi32>
    %ge3A_350 = arith.constant 0 : i32
    %ge3A_351 = vector.broadcast %ge3A_350 : i32 to vector<16xi32>
    %ge3A_352 = arith.cmpi sge, %add3A_349, %ge3A_351 : vector<16xi32>
    %jit3A_353 = arith.constant 1 : i32
    %jit3A_354 = arith.constant 0 : i32
    %broadcast_in_dim3A_355 = vector.broadcast %jit3A_353 : i32 to vector<16xi32>
    %broadcast_in_dim3A_356 = vector.broadcast %jit3A_354 : i32 to vector<16xi32>
    %select_n3A_357 = arith.select %ge3A_352, %broadcast_in_dim3A_355, %broadcast_in_dim3A_356 : vector<16xi1>, vector<16xi32>
    %add3A_358 = arith.addi %add3A_349, %select_n3A_357 : vector<16xi32>
    %ge3A_359 = arith.constant 2 : i32
    %ge3A_360 = vector.broadcast %ge3A_359 : i32 to vector<16xi32>
    %ge3A_361 = arith.cmpi sge, %add3A_349, %ge3A_360 : vector<16xi32>
    %jit3A_362 = arith.constant 1 : i32
    %jit3A_363 = arith.constant 0 : i32
    %broadcast_in_dim3A_364 = vector.broadcast %jit3A_362 : i32 to vector<16xi32>
    %broadcast_in_dim3A_365 = vector.broadcast %jit3A_363 : i32 to vector<16xi32>
    %select_n3A_366 = arith.select %ge3A_361, %broadcast_in_dim3A_364, %broadcast_in_dim3A_365 : vector<16xi1>, vector<16xi32>
    %add3A_367 = arith.addi %add3A_358, %select_n3A_366 : vector<16xi32>
    %ge3A_368 = arith.constant 3 : i32
    %ge3A_369 = vector.broadcast %ge3A_368 : i32 to vector<16xi32>
    %ge3A_370 = arith.cmpi sge, %add3A_349, %ge3A_369 : vector<16xi32>
    %jit3A_371 = arith.constant 1 : i32
    %jit3A_372 = arith.constant 0 : i32
    %broadcast_in_dim3A_373 = vector.broadcast %jit3A_371 : i32 to vector<16xi32>
    %broadcast_in_dim3A_374 = vector.broadcast %jit3A_372 : i32 to vector<16xi32>
    %select_n3A_375 = arith.select %ge3A_370, %broadcast_in_dim3A_373, %broadcast_in_dim3A_374 : vector<16xi1>, vector<16xi32>
    %add3A_376 = arith.addi %add3A_367, %select_n3A_375 : vector<16xi32>
    %ge3A_377 = arith.constant 5 : i32
    %ge3A_378 = vector.broadcast %ge3A_377 : i32 to vector<16xi32>
    %ge3A_379 = arith.cmpi sge, %add3A_349, %ge3A_378 : vector<16xi32>
    %jit3A_380 = arith.constant 2 : i32
    %jit3A_381 = arith.constant 0 : i32
    %broadcast_in_dim3A_382 = vector.broadcast %jit3A_380 : i32 to vector<16xi32>
    %broadcast_in_dim3A_383 = vector.broadcast %jit3A_381 : i32 to vector<16xi32>
    %select_n3A_384 = arith.select %ge3A_379, %broadcast_in_dim3A_382, %broadcast_in_dim3A_383 : vector<16xi1>, vector<16xi32>
    %add3A_385 = arith.addi %add3A_376, %select_n3A_384 : vector<16xi32>
    %ge3A_386 = arith.constant 9 : i32
    %ge3A_387 = vector.broadcast %ge3A_386 : i32 to vector<16xi32>
    %ge3A_388 = arith.cmpi sge, %add3A_349, %ge3A_387 : vector<16xi32>
    %jit3A_389 = arith.constant 2 : i32
    %jit3A_390 = arith.constant 0 : i32
    %broadcast_in_dim3A_391 = vector.broadcast %jit3A_389 : i32 to vector<16xi32>
    %broadcast_in_dim3A_392 = vector.broadcast %jit3A_390 : i32 to vector<16xi32>
    %select_n3A_393 = arith.select %ge3A_388, %broadcast_in_dim3A_391, %broadcast_in_dim3A_392 : vector<16xi1>, vector<16xi32>
    %add3A_394 = arith.addi %add3A_385, %select_n3A_393 : vector<16xi32>
    %ge3A_395 = arith.constant 11 : i32
    %ge3A_396 = vector.broadcast %ge3A_395 : i32 to vector<16xi32>
    %ge3A_397 = arith.cmpi sge, %add3A_349, %ge3A_396 : vector<16xi32>
    %jit3A_398 = arith.constant 1 : i32
    %jit3A_399 = arith.constant 0 : i32
    %broadcast_in_dim3A_400 = vector.broadcast %jit3A_398 : i32 to vector<16xi32>
    %broadcast_in_dim3A_401 = vector.broadcast %jit3A_399 : i32 to vector<16xi32>
    %select_n3A_402 = arith.select %ge3A_397, %broadcast_in_dim3A_400, %broadcast_in_dim3A_401 : vector<16xi1>, vector<16xi32>
    %add3A_403 = arith.addi %add3A_394, %select_n3A_402 : vector<16xi32>
    %ge3A_404 = arith.constant 15 : i32
    %ge3A_405 = vector.broadcast %ge3A_404 : i32 to vector<16xi32>
    %ge3A_406 = arith.cmpi sge, %add3A_349, %ge3A_405 : vector<16xi32>
    %jit3A_407 = arith.constant 1 : i32
    %jit3A_408 = arith.constant 0 : i32
    %broadcast_in_dim3A_409 = vector.broadcast %jit3A_407 : i32 to vector<16xi32>
    %broadcast_in_dim3A_410 = vector.broadcast %jit3A_408 : i32 to vector<16xi32>
    %select_n3A_411 = arith.select %ge3A_406, %broadcast_in_dim3A_409, %broadcast_in_dim3A_410 : vector<16xi1>, vector<16xi32>
    %add3A_412 = arith.addi %add3A_403, %select_n3A_411 : vector<16xi32>
    %ge3A_413 = arith.constant 16 : i32
    %ge3A_414 = vector.broadcast %ge3A_413 : i32 to vector<16xi32>
    %ge3A_415 = arith.cmpi sge, %add3A_349, %ge3A_414 : vector<16xi32>
    %jit3A_416 = arith.constant 1 : i32
    %jit3A_417 = arith.constant 0 : i32
    %broadcast_in_dim3A_418 = vector.broadcast %jit3A_416 : i32 to vector<16xi32>
    %broadcast_in_dim3A_419 = vector.broadcast %jit3A_417 : i32 to vector<16xi32>
    %select_n3A_420 = arith.select %ge3A_415, %broadcast_in_dim3A_418, %broadcast_in_dim3A_419 : vector<16xi1>, vector<16xi32>
    %add3A_421 = arith.addi %add3A_412, %select_n3A_420 : vector<16xi32>
    %ge3A_422 = arith.constant 22 : i32
    %ge3A_423 = vector.broadcast %ge3A_422 : i32 to vector<16xi32>
    %ge3A_424 = arith.cmpi sge, %add3A_349, %ge3A_423 : vector<16xi32>
    %jit3A_425 = arith.constant 1 : i32
    %jit3A_426 = arith.constant 0 : i32
    %broadcast_in_dim3A_427 = vector.broadcast %jit3A_425 : i32 to vector<16xi32>
    %broadcast_in_dim3A_428 = vector.broadcast %jit3A_426 : i32 to vector<16xi32>
    %select_n3A_429 = arith.select %ge3A_424, %broadcast_in_dim3A_427, %broadcast_in_dim3A_428 : vector<16xi1>, vector<16xi32>
    %add3A_430 = arith.addi %add3A_421, %select_n3A_429 : vector<16xi32>
    %ge3A_431 = arith.constant 34 : i32
    %ge3A_432 = vector.broadcast %ge3A_431 : i32 to vector<16xi32>
    %ge3A_433 = arith.cmpi sge, %add3A_349, %ge3A_432 : vector<16xi32>
    %jit3A_434 = arith.constant 1 : i32
    %jit3A_435 = arith.constant 0 : i32
    %broadcast_in_dim3A_436 = vector.broadcast %jit3A_434 : i32 to vector<16xi32>
    %broadcast_in_dim3A_437 = vector.broadcast %jit3A_435 : i32 to vector<16xi32>
    %select_n3A_438 = arith.select %ge3A_433, %broadcast_in_dim3A_436, %broadcast_in_dim3A_437 : vector<16xi1>, vector<16xi32>
    %add3A_439 = arith.addi %add3A_430, %select_n3A_438 : vector<16xi32>
    %ge3A_440 = arith.constant 51 : i32
    %ge3A_441 = vector.broadcast %ge3A_440 : i32 to vector<16xi32>
    %ge3A_442 = arith.cmpi sge, %add3A_349, %ge3A_441 : vector<16xi32>
    %jit3A_443 = arith.constant 2 : i32
    %jit3A_444 = arith.constant 0 : i32
    %broadcast_in_dim3A_445 = vector.broadcast %jit3A_443 : i32 to vector<16xi32>
    %broadcast_in_dim3A_446 = vector.broadcast %jit3A_444 : i32 to vector<16xi32>
    %select_n3A_447 = arith.select %ge3A_442, %broadcast_in_dim3A_445, %broadcast_in_dim3A_446 : vector<16xi1>, vector<16xi32>
    %add3A_448 = arith.addi %add3A_439, %select_n3A_447 : vector<16xi32>
    %ge3A_449 = arith.constant 57 : i32
    %ge3A_450 = vector.broadcast %ge3A_449 : i32 to vector<16xi32>
    %ge3A_451 = arith.cmpi sge, %add3A_349, %ge3A_450 : vector<16xi32>
    %jit3A_452 = arith.constant 1 : i32
    %jit3A_453 = arith.constant 0 : i32
    %broadcast_in_dim3A_454 = vector.broadcast %jit3A_452 : i32 to vector<16xi32>
    %broadcast_in_dim3A_455 = vector.broadcast %jit3A_453 : i32 to vector<16xi32>
    %select_n3A_456 = arith.select %ge3A_451, %broadcast_in_dim3A_454, %broadcast_in_dim3A_455 : vector<16xi1>, vector<16xi32>
    %add3A_457 = arith.addi %add3A_448, %select_n3A_456 : vector<16xi32>
    %ge3A_458 = arith.constant 75 : i32
    %ge3A_459 = vector.broadcast %ge3A_458 : i32 to vector<16xi32>
    %ge3A_460 = arith.cmpi sge, %add3A_349, %ge3A_459 : vector<16xi32>
    %jit3A_461 = arith.constant 1 : i32
    %jit3A_462 = arith.constant 0 : i32
    %broadcast_in_dim3A_463 = vector.broadcast %jit3A_461 : i32 to vector<16xi32>
    %broadcast_in_dim3A_464 = vector.broadcast %jit3A_462 : i32 to vector<16xi32>
    %select_n3A_465 = arith.select %ge3A_460, %broadcast_in_dim3A_463, %broadcast_in_dim3A_464 : vector<16xi1>, vector<16xi32>
    %add3A_466 = arith.addi %add3A_457, %select_n3A_465 : vector<16xi32>
    %ge3A_467 = arith.constant 79 : i32
    %ge3A_468 = vector.broadcast %ge3A_467 : i32 to vector<16xi32>
    %ge3A_469 = arith.cmpi sge, %add3A_349, %ge3A_468 : vector<16xi32>
    %jit3A_470 = arith.constant 2 : i32
    %jit3A_471 = arith.constant 0 : i32
    %broadcast_in_dim3A_472 = vector.broadcast %jit3A_470 : i32 to vector<16xi32>
    %broadcast_in_dim3A_473 = vector.broadcast %jit3A_471 : i32 to vector<16xi32>
    %select_n3A_474 = arith.select %ge3A_469, %broadcast_in_dim3A_472, %broadcast_in_dim3A_473 : vector<16xi1>, vector<16xi32>
    %add3A_475 = arith.addi %add3A_466, %select_n3A_474 : vector<16xi32>
    %ge3A_476 = arith.constant 82 : i32
    %ge3A_477 = vector.broadcast %ge3A_476 : i32 to vector<16xi32>
    %ge3A_478 = arith.cmpi sge, %add3A_349, %ge3A_477 : vector<16xi32>
    %jit3A_479 = arith.constant 2 : i32
    %jit3A_480 = arith.constant 0 : i32
    %broadcast_in_dim3A_481 = vector.broadcast %jit3A_479 : i32 to vector<16xi32>
    %broadcast_in_dim3A_482 = vector.broadcast %jit3A_480 : i32 to vector<16xi32>
    %select_n3A_483 = arith.select %ge3A_478, %broadcast_in_dim3A_481, %broadcast_in_dim3A_482 : vector<16xi1>, vector<16xi32>
    %add3A_484 = arith.addi %add3A_475, %select_n3A_483 : vector<16xi32>
    %ge3A_485 = arith.constant 83 : i32
    %ge3A_486 = vector.broadcast %ge3A_485 : i32 to vector<16xi32>
    %ge3A_487 = arith.cmpi sge, %add3A_349, %ge3A_486 : vector<16xi32>
    %jit3A_488 = arith.constant 1 : i32
    %jit3A_489 = arith.constant 0 : i32
    %broadcast_in_dim3A_490 = vector.broadcast %jit3A_488 : i32 to vector<16xi32>
    %broadcast_in_dim3A_491 = vector.broadcast %jit3A_489 : i32 to vector<16xi32>
    %select_n3A_492 = arith.select %ge3A_487, %broadcast_in_dim3A_490, %broadcast_in_dim3A_491 : vector<16xi1>, vector<16xi32>
    %add3A_493 = arith.addi %add3A_484, %select_n3A_492 : vector<16xi32>
    %ge3A_494 = arith.constant 84 : i32
    %ge3A_495 = vector.broadcast %ge3A_494 : i32 to vector<16xi32>
    %ge3A_496 = arith.cmpi sge, %add3A_349, %ge3A_495 : vector<16xi32>
    %jit3A_497 = arith.constant 1 : i32
    %jit3A_498 = arith.constant 0 : i32
    %broadcast_in_dim3A_499 = vector.broadcast %jit3A_497 : i32 to vector<16xi32>
    %broadcast_in_dim3A_500 = vector.broadcast %jit3A_498 : i32 to vector<16xi32>
    %select_n3A_501 = arith.select %ge3A_496, %broadcast_in_dim3A_499, %broadcast_in_dim3A_500 : vector<16xi1>, vector<16xi32>
    %add3A_502 = arith.addi %add3A_493, %select_n3A_501 : vector<16xi32>
    %ge3A_503 = arith.constant 86 : i32
    %ge3A_504 = vector.broadcast %ge3A_503 : i32 to vector<16xi32>
    %ge3A_505 = arith.cmpi sge, %add3A_349, %ge3A_504 : vector<16xi32>
    %jit3A_506 = arith.constant 4 : i32
    %jit3A_507 = arith.constant 0 : i32
    %broadcast_in_dim3A_508 = vector.broadcast %jit3A_506 : i32 to vector<16xi32>
    %broadcast_in_dim3A_509 = vector.broadcast %jit3A_507 : i32 to vector<16xi32>
    %select_n3A_510 = arith.select %ge3A_505, %broadcast_in_dim3A_508, %broadcast_in_dim3A_509 : vector<16xi1>, vector<16xi32>
    %add3A_511 = arith.addi %add3A_502, %select_n3A_510 : vector<16xi32>
    %ge3A_512 = arith.constant 88 : i32
    %ge3A_513 = vector.broadcast %ge3A_512 : i32 to vector<16xi32>
    %ge3A_514 = arith.cmpi sge, %add3A_349, %ge3A_513 : vector<16xi32>
    %jit3A_515 = arith.constant 1 : i32
    %jit3A_516 = arith.constant 0 : i32
    %broadcast_in_dim3A_517 = vector.broadcast %jit3A_515 : i32 to vector<16xi32>
    %broadcast_in_dim3A_518 = vector.broadcast %jit3A_516 : i32 to vector<16xi32>
    %select_n3A_519 = arith.select %ge3A_514, %broadcast_in_dim3A_517, %broadcast_in_dim3A_518 : vector<16xi1>, vector<16xi32>
    %add3A_520 = arith.addi %add3A_511, %select_n3A_519 : vector<16xi32>
    %ge3A_521 = arith.constant 89 : i32
    %ge3A_522 = vector.broadcast %ge3A_521 : i32 to vector<16xi32>
    %ge3A_523 = arith.cmpi sge, %add3A_349, %ge3A_522 : vector<16xi32>
    %jit3A_524 = arith.constant 3 : i32
    %jit3A_525 = arith.constant 0 : i32
    %broadcast_in_dim3A_526 = vector.broadcast %jit3A_524 : i32 to vector<16xi32>
    %broadcast_in_dim3A_527 = vector.broadcast %jit3A_525 : i32 to vector<16xi32>
    %select_n3A_528 = arith.select %ge3A_523, %broadcast_in_dim3A_526, %broadcast_in_dim3A_527 : vector<16xi1>, vector<16xi32>
    %add3A_529 = arith.addi %add3A_520, %select_n3A_528 : vector<16xi32>
    %ge3A_530 = arith.constant 92 : i32
    %ge3A_531 = vector.broadcast %ge3A_530 : i32 to vector<16xi32>
    %ge3A_532 = arith.cmpi sge, %add3A_349, %ge3A_531 : vector<16xi32>
    %jit3A_533 = arith.constant 1 : i32
    %jit3A_534 = arith.constant 0 : i32
    %broadcast_in_dim3A_535 = vector.broadcast %jit3A_533 : i32 to vector<16xi32>
    %broadcast_in_dim3A_536 = vector.broadcast %jit3A_534 : i32 to vector<16xi32>
    %select_n3A_537 = arith.select %ge3A_532, %broadcast_in_dim3A_535, %broadcast_in_dim3A_536 : vector<16xi1>, vector<16xi32>
    %add3A_538 = arith.addi %add3A_529, %select_n3A_537 : vector<16xi32>
    %ge3A_539 = arith.constant 94 : i32
    %ge3A_540 = vector.broadcast %ge3A_539 : i32 to vector<16xi32>
    %ge3A_541 = arith.cmpi sge, %add3A_349, %ge3A_540 : vector<16xi32>
    %jit3A_542 = arith.constant 1 : i32
    %jit3A_543 = arith.constant 0 : i32
    %broadcast_in_dim3A_544 = vector.broadcast %jit3A_542 : i32 to vector<16xi32>
    %broadcast_in_dim3A_545 = vector.broadcast %jit3A_543 : i32 to vector<16xi32>
    %select_n3A_546 = arith.select %ge3A_541, %broadcast_in_dim3A_544, %broadcast_in_dim3A_545 : vector<16xi1>, vector<16xi32>
    %add3A_547 = arith.addi %add3A_538, %select_n3A_546 : vector<16xi32>
    %swap3A_548 = arith.index_cast %multiple_of3A_346 : i32 to index
    %swap3A_549 = tpu.vector_load %arg4[%swap3A_548] {strides = array<i32>} : memref<96xi32, #tpu.memory_space<vmem>>, vector<16xi32>,
    %swap3A_550 = vector.shape_cast %swap3A_549 : vector<16xi32> to vector<16xi32>
    %swap3A_551 = vector.shape_cast %add3A_547 : vector<16xi32> to vector<16xi32>
    tpu.vector_store %arg4[%swap3A_548], %swap3A_551 {strides = array<i32>} : memref<96xi32, #tpu.memory_space<vmem>>, vector<16xi32>,
    %dma_start3A_552 = tpu.memref_slice %arg4[%multiple_of3A_298] : memref<96xi32, #tpu.memory_space<vmem>> -> memref<8xi32, #tpu.memory_space<vmem>>
    %dma_start3A_553 = arith.constant 0 : i32
    %dma_start3A_554 = tpu.memref_slice %arg2[%dma_start3A_553, %multiple_of3A_319] : memref<128x32768xf32, #tpu.memory_space<hbm>> -> memref<128x4096xf32, #tpu.memory_space<hbm>>
    tpu.enqueue_indirect_dma source(%dma_start3A_554 : memref<128x4096xf32, #tpu.memory_space<hbm>>) target(%arg6 : memref<8x4096xf32, #tpu.memory_space<vmem>>) offsets(%dma_start3A_552 : memref<8xi32, #tpu.memory_space<vmem>>) semaphore(%arg8 : memref<!tpu.dma_semaphore, #tpu.memory_space<semaphore_mem>>)
    %jit3A_555 = arith.constant 8 : i32
    %div3A_556 = arith.divsi %add3A, %jit3A_555 : i32
    %sign3A_557 = arith.constant 0 : i32
    %sign3A_558 = arith.cmpi sgt, %add3A, %sign3A_557 : i32
    %sign3A_559 = arith.extui %sign3A_558 : i1 to i32
    %sign3A_560 = arith.constant 0 : i32
    %sign3A_561 = arith.cmpi slt, %add3A, %sign3A_560 : i32
    %sign3A_562 = arith.extui %sign3A_561 : i1 to i32
    %sign3A_563 = arith.subi %sign3A_559, %sign3A_562 : i32
    %sign3A_564 = arith.constant 0 : i32
    %sign3A_565 = arith.cmpi sgt, %jit3A_555, %sign3A_564 : i32
    %sign3A_566 = arith.extui %sign3A_565 : i1 to i32
    %sign3A_567 = arith.constant 0 : i32
    %sign3A_568 = arith.cmpi slt, %jit3A_555, %sign3A_567 : i32
    %sign3A_569 = arith.extui %sign3A_568 : i1 to i32
    %sign3A_570 = arith.subi %sign3A_566, %sign3A_569 : i32
    %ne3A_571 = arith.cmpi ne, %sign3A_563, %sign3A_570 : i32
    %rem3A_572 = arith.remsi %add3A, %jit3A_555 : i32
    %ne3A_573 = arith.constant 0 : i32
    %ne3A_574 = arith.cmpi ne, %rem3A_572, %ne3A_573 : i32
    %and3A_575 = arith.andi %ne3A_571, %ne3A_574 : i1
    %sub3A_576 = arith.constant 1 : i32
    %sub3A_577 = arith.subi %div3A_556, %sub3A_576 : i32
    %select_n3A_578 = arith.select %and3A_575, %sub3A_577, %div3A_556 : i32
    %add3A_579 = arith.constant 8 : i32
    %add3A_580 = arith.addi %select_n3A_578, %add3A_579 : i32
    %mul3A_581 = arith.constant 8 : i32
    %mul3A_582 = arith.muli %add3A_580, %mul3A_581 : i32
    %multiple_of3A_583 = tpu.assume_multiple %mul3A_582, 8 : i32
    %add3A_584 = arith.constant 2 : i32
    %add3A_585 = arith.addi %add3A, %add3A_584 : i32
    %jit3A_586 = arith.constant 8 : i32
    %eq3A_587 = arith.constant 0 : i32
    %eq3A_588 = arith.cmpi eq, %jit3A_586, %eq3A_587 : i32
    %jit3A_589 = arith.constant 1 : i32
    %select_n3A_590 = arith.select %eq3A_588, %jit3A_589, %jit3A_586 : i32
    %rem3A_591 = arith.remsi %add3A_585, %select_n3A_590 : i32
    %ne3A_592 = arith.constant 0 : i32
    %ne3A_593 = arith.cmpi ne, %rem3A_591, %ne3A_592 : i32
    %lt3A_594 = arith.constant 0 : i32
    %lt3A_595 = arith.cmpi slt, %rem3A_591, %lt3A_594 : i32
    %lt3A_596 = arith.constant 0 : i32
    %lt3A_597 = arith.cmpi slt, %select_n3A_590, %lt3A_596 : i32
    %ne3A_598 = arith.xori %lt3A_595, %lt3A_597 : i1
    %and3A_599 = arith.andi %ne3A_598, %ne3A_593 : i1
    %add3A_600 = arith.addi %rem3A_591, %select_n3A_590 : i32
    %select_n3A_601 = arith.select %and3A_599, %add3A_600, %rem3A_591 : i32
    %mul3A_602 = arith.constant 4096 : i32
    %mul3A_603 = arith.muli %select_n3A_601, %mul3A_602 : i32
    %multiple_of3A_604 = tpu.assume_multiple %mul3A_603, 4096 : i32
    %jit3A_605 = arith.constant 16 : i32
    %div3A_606 = arith.divsi %multiple_of3A_583, %jit3A_605 : i32
    %sign3A_607 = arith.constant 0 : i32
    %sign3A_608 = arith.cmpi sgt, %multiple_of3A_583, %sign3A_607 : i32
    %sign3A_609 = arith.extui %sign3A_608 : i1 to i32
    %sign3A_610 = arith.constant 0 : i32
    %sign3A_611 = arith.cmpi slt, %multiple_of3A_583, %sign3A_610 : i32
    %sign3A_612 = arith.extui %sign3A_611 : i1 to i32
    %sign3A_613 = arith.subi %sign3A_609, %sign3A_612 : i32
    %sign3A_614 = arith.constant 0 : i32
    %sign3A_615 = arith.cmpi sgt, %jit3A_605, %sign3A_614 : i32
    %sign3A_616 = arith.extui %sign3A_615 : i1 to i32
    %sign3A_617 = arith.constant 0 : i32
    %sign3A_618 = arith.cmpi slt, %jit3A_605, %sign3A_617 : i32
    %sign3A_619 = arith.extui %sign3A_618 : i1 to i32
    %sign3A_620 = arith.subi %sign3A_616, %sign3A_619 : i32
    %ne3A_621 = arith.cmpi ne, %sign3A_613, %sign3A_620 : i32
    %rem3A_622 = arith.remsi %multiple_of3A_583, %jit3A_605 : i32
    %ne3A_623 = arith.constant 0 : i32
    %ne3A_624 = arith.cmpi ne, %rem3A_622, %ne3A_623 : i32
    %and3A_625 = arith.andi %ne3A_621, %ne3A_624 : i1
    %sub3A_626 = arith.constant 1 : i32
    %sub3A_627 = arith.subi %div3A_606, %sub3A_626 : i32
    %select_n3A_628 = arith.select %and3A_625, %sub3A_627, %div3A_606 : i32
    %mul3A_629 = arith.constant 16 : i32
    %mul3A_630 = arith.muli %select_n3A_628, %mul3A_629 : i32
    %multiple_of3A_631 = tpu.assume_multiple %mul3A_630, 16 : i32
    %iota3A_632 = tpu.iota {dimensions = array<i32: 0>} : vector<16xi32>
    %add3A_633 = vector.broadcast %multiple_of3A_631 : i32 to vector<16xi32>
    %add3A_634 = arith.addi %iota3A_632, %add3A_633 : vector<16xi32>
    %ge3A_635 = arith.constant 0 : i32
    %ge3A_636 = vector.broadcast %ge3A_635 : i32 to vector<16xi32>
    %ge3A_637 = arith.cmpi sge, %add3A_634, %ge3A_636 : vector<16xi32>
    %jit3A_638 = arith.constant 1 : i32
    %jit3A_639 = arith.constant 0 : i32
    %broadcast_in_dim3A_640 = vector.broadcast %jit3A_638 : i32 to vector<16xi32>
    %broadcast_in_dim3A_641 = vector.broadcast %jit3A_639 : i32 to vector<16xi32>
    %select_n3A_642 = arith.select %ge3A_637, %broadcast_in_dim3A_640, %broadcast_in_dim3A_641 : vector<16xi1>, vector<16xi32>
    %add3A_643 = arith.addi %add3A_634, %select_n3A_642 : vector<16xi32>
    %ge3A_644 = arith.constant 2 : i32
    %ge3A_645 = vector.broadcast %ge3A_644 : i32 to vector<16xi32>
    %ge3A_646 = arith.cmpi sge, %add3A_634, %ge3A_645 : vector<16xi32>
    %jit3A_647 = arith.constant 1 : i32
    %jit3A_648 = arith.constant 0 : i32
    %broadcast_in_dim3A_649 = vector.broadcast %jit3A_647 : i32 to vector<16xi32>
    %broadcast_in_dim3A_650 = vector.broadcast %jit3A_648 : i32 to vector<16xi32>
    %select_n3A_651 = arith.select %ge3A_646, %broadcast_in_dim3A_649, %broadcast_in_dim3A_650 : vector<16xi1>, vector<16xi32>
    %add3A_652 = arith.addi %add3A_643, %select_n3A_651 : vector<16xi32>
    %ge3A_653 = arith.constant 3 : i32
    %ge3A_654 = vector.broadcast %ge3A_653 : i32 to vector<16xi32>
    %ge3A_655 = arith.cmpi sge, %add3A_634, %ge3A_654 : vector<16xi32>
    %jit3A_656 = arith.constant 1 : i32
    %jit3A_657 = arith.constant 0 : i32
    %broadcast_in_dim3A_658 = vector.broadcast %jit3A_656 : i32 to vector<16xi32>
    %broadcast_in_dim3A_659 = vector.broadcast %jit3A_657 : i32 to vector<16xi32>
    %select_n3A_660 = arith.select %ge3A_655, %broadcast_in_dim3A_658, %broadcast_in_dim3A_659 : vector<16xi1>, vector<16xi32>
    %add3A_661 = arith.addi %add3A_652, %select_n3A_660 : vector<16xi32>
    %ge3A_662 = arith.constant 5 : i32
    %ge3A_663 = vector.broadcast %ge3A_662 : i32 to vector<16xi32>
    %ge3A_664 = arith.cmpi sge, %add3A_634, %ge3A_663 : vector<16xi32>
    %jit3A_665 = arith.constant 2 : i32
    %jit3A_666 = arith.constant 0 : i32
    %broadcast_in_dim3A_667 = vector.broadcast %jit3A_665 : i32 to vector<16xi32>
    %broadcast_in_dim3A_668 = vector.broadcast %jit3A_666 : i32 to vector<16xi32>
    %select_n3A_669 = arith.select %ge3A_664, %broadcast_in_dim3A_667, %broadcast_in_dim3A_668 : vector<16xi1>, vector<16xi32>
    %add3A_670 = arith.addi %add3A_661, %select_n3A_669 : vector<16xi32>
    %ge3A_671 = arith.constant 9 : i32
    %ge3A_672 = vector.broadcast %ge3A_671 : i32 to vector<16xi32>
    %ge3A_673 = arith.cmpi sge, %add3A_634, %ge3A_672 : vector<16xi32>
    %jit3A_674 = arith.constant 2 : i32
    %jit3A_675 = arith.constant 0 : i32
    %broadcast_in_dim3A_676 = vector.broadcast %jit3A_674 : i32 to vector<16xi32>
    %broadcast_in_dim3A_677 = vector.broadcast %jit3A_675 : i32 to vector<16xi32>
    %select_n3A_678 = arith.select %ge3A_673, %broadcast_in_dim3A_676, %broadcast_in_dim3A_677 : vector<16xi1>, vector<16xi32>
    %add3A_679 = arith.addi %add3A_670, %select_n3A_678 : vector<16xi32>
    %ge3A_680 = arith.constant 11 : i32
    %ge3A_681 = vector.broadcast %ge3A_680 : i32 to vector<16xi32>
    %ge3A_682 = arith.cmpi sge, %add3A_634, %ge3A_681 : vector<16xi32>
    %jit3A_683 = arith.constant 1 : i32
    %jit3A_684 = arith.constant 0 : i32
    %broadcast_in_dim3A_685 = vector.broadcast %jit3A_683 : i32 to vector<16xi32>
    %broadcast_in_dim3A_686 = vector.broadcast %jit3A_684 : i32 to vector<16xi32>
    %select_n3A_687 = arith.select %ge3A_682, %broadcast_in_dim3A_685, %broadcast_in_dim3A_686 : vector<16xi1>, vector<16xi32>
    %add3A_688 = arith.addi %add3A_679, %select_n3A_687 : vector<16xi32>
    %ge3A_689 = arith.constant 15 : i32
    %ge3A_690 = vector.broadcast %ge3A_689 : i32 to vector<16xi32>
    %ge3A_691 = arith.cmpi sge, %add3A_634, %ge3A_690 : vector<16xi32>
    %jit3A_692 = arith.constant 1 : i32
    %jit3A_693 = arith.constant 0 : i32
    %broadcast_in_dim3A_694 = vector.broadcast %jit3A_692 : i32 to vector<16xi32>
    %broadcast_in_dim3A_695 = vector.broadcast %jit3A_693 : i32 to vector<16xi32>
    %select_n3A_696 = arith.select %ge3A_691, %broadcast_in_dim3A_694, %broadcast_in_dim3A_695 : vector<16xi1>, vector<16xi32>
    %add3A_697 = arith.addi %add3A_688, %select_n3A_696 : vector<16xi32>
    %ge3A_698 = arith.constant 16 : i32
    %ge3A_699 = vector.broadcast %ge3A_698 : i32 to vector<16xi32>
    %ge3A_700 = arith.cmpi sge, %add3A_634, %ge3A_699 : vector<16xi32>
    %jit3A_701 = arith.constant 1 : i32
    %jit3A_702 = arith.constant 0 : i32
    %broadcast_in_dim3A_703 = vector.broadcast %jit3A_701 : i32 to vector<16xi32>
    %broadcast_in_dim3A_704 = vector.broadcast %jit3A_702 : i32 to vector<16xi32>
    %select_n3A_705 = arith.select %ge3A_700, %broadcast_in_dim3A_703, %broadcast_in_dim3A_704 : vector<16xi1>, vector<16xi32>
    %add3A_706 = arith.addi %add3A_697, %select_n3A_705 : vector<16xi32>
    %ge3A_707 = arith.constant 22 : i32
    %ge3A_708 = vector.broadcast %ge3A_707 : i32 to vector<16xi32>
    %ge3A_709 = arith.cmpi sge, %add3A_634, %ge3A_708 : vector<16xi32>
    %jit3A_710 = arith.constant 1 : i32
    %jit3A_711 = arith.constant 0 : i32
    %broadcast_in_dim3A_712 = vector.broadcast %jit3A_710 : i32 to vector<16xi32>
    %broadcast_in_dim3A_713 = vector.broadcast %jit3A_711 : i32 to vector<16xi32>
    %select_n3A_714 = arith.select %ge3A_709, %broadcast_in_dim3A_712, %broadcast_in_dim3A_713 : vector<16xi1>, vector<16xi32>
    %add3A_715 = arith.addi %add3A_706, %select_n3A_714 : vector<16xi32>
    %ge3A_716 = arith.constant 34 : i32
    %ge3A_717 = vector.broadcast %ge3A_716 : i32 to vector<16xi32>
    %ge3A_718 = arith.cmpi sge, %add3A_634, %ge3A_717 : vector<16xi32>
    %jit3A_719 = arith.constant 1 : i32
    %jit3A_720 = arith.constant 0 : i32
    %broadcast_in_dim3A_721 = vector.broadcast %jit3A_719 : i32 to vector<16xi32>
    %broadcast_in_dim3A_722 = vector.broadcast %jit3A_720 : i32 to vector<16xi32>
    %select_n3A_723 = arith.select %ge3A_718, %broadcast_in_dim3A_721, %broadcast_in_dim3A_722 : vector<16xi1>, vector<16xi32>
    %add3A_724 = arith.addi %add3A_715, %select_n3A_723 : vector<16xi32>
    %ge3A_725 = arith.constant 51 : i32
    %ge3A_726 = vector.broadcast %ge3A_725 : i32 to vector<16xi32>
    %ge3A_727 = arith.cmpi sge, %add3A_634, %ge3A_726 : vector<16xi32>
    %jit3A_728 = arith.constant 2 : i32
    %jit3A_729 = arith.constant 0 : i32
    %broadcast_in_dim3A_730 = vector.broadcast %jit3A_728 : i32 to vector<16xi32>
    %broadcast_in_dim3A_731 = vector.broadcast %jit3A_729 : i32 to vector<16xi32>
    %select_n3A_732 = arith.select %ge3A_727, %broadcast_in_dim3A_730, %broadcast_in_dim3A_731 : vector<16xi1>, vector<16xi32>
    %add3A_733 = arith.addi %add3A_724, %select_n3A_732 : vector<16xi32>
    %ge3A_734 = arith.constant 57 : i32
    %ge3A_735 = vector.broadcast %ge3A_734 : i32 to vector<16xi32>
    %ge3A_736 = arith.cmpi sge, %add3A_634, %ge3A_735 : vector<16xi32>
    %jit3A_737 = arith.constant 1 : i32
    %jit3A_738 = arith.constant 0 : i32
    %broadcast_in_dim3A_739 = vector.broadcast %jit3A_737 : i32 to vector<16xi32>
    %broadcast_in_dim3A_740 = vector.broadcast %jit3A_738 : i32 to vector<16xi32>
    %select_n3A_741 = arith.select %ge3A_736, %broadcast_in_dim3A_739, %broadcast_in_dim3A_740 : vector<16xi1>, vector<16xi32>
    %add3A_742 = arith.addi %add3A_733, %select_n3A_741 : vector<16xi32>
    %ge3A_743 = arith.constant 75 : i32
    %ge3A_744 = vector.broadcast %ge3A_743 : i32 to vector<16xi32>
    %ge3A_745 = arith.cmpi sge, %add3A_634, %ge3A_744 : vector<16xi32>
    %jit3A_746 = arith.constant 1 : i32
    %jit3A_747 = arith.constant 0 : i32
    %broadcast_in_dim3A_748 = vector.broadcast %jit3A_746 : i32 to vector<16xi32>
    %broadcast_in_dim3A_749 = vector.broadcast %jit3A_747 : i32 to vector<16xi32>
    %select_n3A_750 = arith.select %ge3A_745, %broadcast_in_dim3A_748, %broadcast_in_dim3A_749 : vector<16xi1>, vector<16xi32>
    %add3A_751 = arith.addi %add3A_742, %select_n3A_750 : vector<16xi32>
    %ge3A_752 = arith.constant 79 : i32
    %ge3A_753 = vector.broadcast %ge3A_752 : i32 to vector<16xi32>
    %ge3A_754 = arith.cmpi sge, %add3A_634, %ge3A_753 : vector<16xi32>
    %jit3A_755 = arith.constant 2 : i32
    %jit3A_756 = arith.constant 0 : i32
    %broadcast_in_dim3A_757 = vector.broadcast %jit3A_755 : i32 to vector<16xi32>
    %broadcast_in_dim3A_758 = vector.broadcast %jit3A_756 : i32 to vector<16xi32>
    %select_n3A_759 = arith.select %ge3A_754, %broadcast_in_dim3A_757, %broadcast_in_dim3A_758 : vector<16xi1>, vector<16xi32>
    %add3A_760 = arith.addi %add3A_751, %select_n3A_759 : vector<16xi32>
    %ge3A_761 = arith.constant 82 : i32
    %ge3A_762 = vector.broadcast %ge3A_761 : i32 to vector<16xi32>
    %ge3A_763 = arith.cmpi sge, %add3A_634, %ge3A_762 : vector<16xi32>
    %jit3A_764 = arith.constant 2 : i32
    %jit3A_765 = arith.constant 0 : i32
    %broadcast_in_dim3A_766 = vector.broadcast %jit3A_764 : i32 to vector<16xi32>
    %broadcast_in_dim3A_767 = vector.broadcast %jit3A_765 : i32 to vector<16xi32>
    %select_n3A_768 = arith.select %ge3A_763, %broadcast_in_dim3A_766, %broadcast_in_dim3A_767 : vector<16xi1>, vector<16xi32>
    %add3A_769 = arith.addi %add3A_760, %select_n3A_768 : vector<16xi32>
    %ge3A_770 = arith.constant 83 : i32
    %ge3A_771 = vector.broadcast %ge3A_770 : i32 to vector<16xi32>
    %ge3A_772 = arith.cmpi sge, %add3A_634, %ge3A_771 : vector<16xi32>
    %jit3A_773 = arith.constant 1 : i32
    %jit3A_774 = arith.constant 0 : i32
    %broadcast_in_dim3A_775 = vector.broadcast %jit3A_773 : i32 to vector<16xi32>
    %broadcast_in_dim3A_776 = vector.broadcast %jit3A_774 : i32 to vector<16xi32>
    %select_n3A_777 = arith.select %ge3A_772, %broadcast_in_dim3A_775, %broadcast_in_dim3A_776 : vector<16xi1>, vector<16xi32>
    %add3A_778 = arith.addi %add3A_769, %select_n3A_777 : vector<16xi32>
    %ge3A_779 = arith.constant 84 : i32
    %ge3A_780 = vector.broadcast %ge3A_779 : i32 to vector<16xi32>
    %ge3A_781 = arith.cmpi sge, %add3A_634, %ge3A_780 : vector<16xi32>
    %jit3A_782 = arith.constant 1 : i32
    %jit3A_783 = arith.constant 0 : i32
    %broadcast_in_dim3A_784 = vector.broadcast %jit3A_782 : i32 to vector<16xi32>
    %broadcast_in_dim3A_785 = vector.broadcast %jit3A_783 : i32 to vector<16xi32>
    %select_n3A_786 = arith.select %ge3A_781, %broadcast_in_dim3A_784, %broadcast_in_dim3A_785 : vector<16xi1>, vector<16xi32>
    %add3A_787 = arith.addi %add3A_778, %select_n3A_786 : vector<16xi32>
    %ge3A_788 = arith.constant 86 : i32
    %ge3A_789 = vector.broadcast %ge3A_788 : i32 to vector<16xi32>
    %ge3A_790 = arith.cmpi sge, %add3A_634, %ge3A_789 : vector<16xi32>
    %jit3A_791 = arith.constant 4 : i32
    %jit3A_792 = arith.constant 0 : i32
    %broadcast_in_dim3A_793 = vector.broadcast %jit3A_791 : i32 to vector<16xi32>
    %broadcast_in_dim3A_794 = vector.broadcast %jit3A_792 : i32 to vector<16xi32>
    %select_n3A_795 = arith.select %ge3A_790, %broadcast_in_dim3A_793, %broadcast_in_dim3A_794 : vector<16xi1>, vector<16xi32>
    %add3A_796 = arith.addi %add3A_787, %select_n3A_795 : vector<16xi32>
    %ge3A_797 = arith.constant 88 : i32
    %ge3A_798 = vector.broadcast %ge3A_797 : i32 to vector<16xi32>
    %ge3A_799 = arith.cmpi sge, %add3A_634, %ge3A_798 : vector<16xi32>
    %jit3A_800 = arith.constant 1 : i32
    %jit3A_801 = arith.constant 0 : i32
    %broadcast_in_dim3A_802 = vector.broadcast %jit3A_800 : i32 to vector<16xi32>
    %broadcast_in_dim3A_803 = vector.broadcast %jit3A_801 : i32 to vector<16xi32>
    %select_n3A_804 = arith.select %ge3A_799, %broadcast_in_dim3A_802, %broadcast_in_dim3A_803 : vector<16xi1>, vector<16xi32>
    %add3A_805 = arith.addi %add3A_796, %select_n3A_804 : vector<16xi32>
    %ge3A_806 = arith.constant 89 : i32
    %ge3A_807 = vector.broadcast %ge3A_806 : i32 to vector<16xi32>
    %ge3A_808 = arith.cmpi sge, %add3A_634, %ge3A_807 : vector<16xi32>
    %jit3A_809 = arith.constant 3 : i32
    %jit3A_810 = arith.constant 0 : i32
    %broadcast_in_dim3A_811 = vector.broadcast %jit3A_809 : i32 to vector<16xi32>
    %broadcast_in_dim3A_812 = vector.broadcast %jit3A_810 : i32 to vector<16xi32>
    %select_n3A_813 = arith.select %ge3A_808, %broadcast_in_dim3A_811, %broadcast_in_dim3A_812 : vector<16xi1>, vector<16xi32>
    %add3A_814 = arith.addi %add3A_805, %select_n3A_813 : vector<16xi32>
    %ge3A_815 = arith.constant 92 : i32
    %ge3A_816 = vector.broadcast %ge3A_815 : i32 to vector<16xi32>
    %ge3A_817 = arith.cmpi sge, %add3A_634, %ge3A_816 : vector<16xi32>
    %jit3A_818 = arith.constant 1 : i32
    %jit3A_819 = arith.constant 0 : i32
    %broadcast_in_dim3A_820 = vector.broadcast %jit3A_818 : i32 to vector<16xi32>
    %broadcast_in_dim3A_821 = vector.broadcast %jit3A_819 : i32 to vector<16xi32>
    %select_n3A_822 = arith.select %ge3A_817, %broadcast_in_dim3A_820, %broadcast_in_dim3A_821 : vector<16xi1>, vector<16xi32>
    %add3A_823 = arith.addi %add3A_814, %select_n3A_822 : vector<16xi32>
    %ge3A_824 = arith.constant 94 : i32
    %ge3A_825 = vector.broadcast %ge3A_824 : i32 to vector<16xi32>
    %ge3A_826 = arith.cmpi sge, %add3A_634, %ge3A_825 : vector<16xi32>
    %jit3A_827 = arith.constant 1 : i32
    %jit3A_828 = arith.constant 0 : i32
    %broadcast_in_dim3A_829 = vector.broadcast %jit3A_827 : i32 to vector<16xi32>
    %broadcast_in_dim3A_830 = vector.broadcast %jit3A_828 : i32 to vector<16xi32>
    %select_n3A_831 = arith.select %ge3A_826, %broadcast_in_dim3A_829, %broadcast_in_dim3A_830 : vector<16xi1>, vector<16xi32>
    %add3A_832 = arith.addi %add3A_823, %select_n3A_831 : vector<16xi32>
    %swap3A_833 = arith.index_cast %multiple_of3A_631 : i32 to index
    %swap3A_834 = tpu.vector_load %arg4[%swap3A_833] {strides = array<i32>} : memref<96xi32, #tpu.memory_space<vmem>>, vector<16xi32>,
    %swap3A_835 = vector.shape_cast %swap3A_834 : vector<16xi32> to vector<16xi32>
    %swap3A_836 = vector.shape_cast %add3A_832 : vector<16xi32> to vector<16xi32>
    tpu.vector_store %arg4[%swap3A_833], %swap3A_836 {strides = array<i32>} : memref<96xi32, #tpu.memory_space<vmem>>, vector<16xi32>,
    %dma_start3A_837 = tpu.memref_slice %arg4[%multiple_of3A_583] : memref<96xi32, #tpu.memory_space<vmem>> -> memref<8xi32, #tpu.memory_space<vmem>>
    %dma_start3A_838 = arith.constant 0 : i32
    %dma_start3A_839 = tpu.memref_slice %arg2[%dma_start3A_838, %multiple_of3A_604] : memref<128x32768xf32, #tpu.memory_space<hbm>> -> memref<128x4096xf32, #tpu.memory_space<hbm>>
    tpu.enqueue_indirect_dma source(%dma_start3A_839 : memref<128x4096xf32, #tpu.memory_space<hbm>>) target(%arg7 : memref<8x4096xf32, #tpu.memory_space<vmem>>) offsets(%dma_start3A_837 : memref<8xi32, #tpu.memory_space<vmem>>) semaphore(%arg8 : memref<!tpu.dma_semaphore, #tpu.memory_space<semaphore_mem>>)
    %dma_wait3A = tpu.memref_slice %arg4[%multiple_of3A] : memref<96xi32, #tpu.memory_space<vmem>> -> memref<8xi32, #tpu.memory_space<vmem>>
    %dma_wait3A_840 = arith.constant 0 : i32
    %dma_wait3A_841 = tpu.memref_slice %arg2[%dma_wait3A_840, %multiple_of3A_39] : memref<128x32768xf32, #tpu.memory_space<hbm>> -> memref<128x4096xf32, #tpu.memory_space<hbm>>
    tpu.wait_indirect_dma semaphore(%arg8 : memref<!tpu.dma_semaphore, #tpu.memory_space<semaphore_mem>>) src(%dma_wait3A_841 : memref<128x4096xf32, #tpu.memory_space<hbm>>) dst(%arg5 : memref<8x4096xf32, #tpu.memory_space<vmem>>)
    %dma_start3A_842 = tpu.memref_slice %arg3[%multiple_of3A, %multiple_of3A_39] : memref<96x32768xf32, #tpu.memory_space<hbm>> -> memref<8x4096xf32, #tpu.memory_space<hbm>>
    %dma_start3A_843 = tpu.memref_slice %arg3[%multiple_of3A, %multiple_of3A_39] : memref<96x32768xf32, #tpu.memory_space<hbm>> -> memref<8x4096xf32, #tpu.memory_space<hbm>>
    tpu.enqueue_dma source(%arg5 : memref<8x4096xf32, #tpu.memory_space<vmem>>) target(%dma_start3A_843 : memref<8x4096xf32, #tpu.memory_space<hbm>>) target_semaphore(%arg9 : memref<!tpu.dma_semaphore, #tpu.memory_space<semaphore_mem>>)
    %dma_wait3A_844 = tpu.memref_slice %arg4[%multiple_of3A_298] : memref<96xi32, #tpu.memory_space<vmem>> -> memref<8xi32, #tpu.memory_space<vmem>>
    %dma_wait3A_845 = arith.constant 0 : i32
    %dma_wait3A_846 = tpu.memref_slice %arg2[%dma_wait3A_845, %multiple_of3A_319] : memref<128x32768xf32, #tpu.memory_space<hbm>> -> memref<128x4096xf32, #tpu.memory_space<hbm>>
    tpu.wait_indirect_dma semaphore(%arg8 : memref<!tpu.dma_semaphore, #tpu.memory_space<semaphore_mem>>) src(%dma_wait3A_846 : memref<128x4096xf32, #tpu.memory_space<hbm>>) dst(%arg6 : memref<8x4096xf32, #tpu.memory_space<vmem>>)
    %dma_start3A_847 = tpu.memref_slice %arg3[%multiple_of3A_298, %multiple_of3A_319] : memref<96x32768xf32, #tpu.memory_space<hbm>> -> memref<8x4096xf32, #tpu.memory_space<hbm>>
    %dma_start3A_848 = tpu.memref_slice %arg3[%multiple_of3A_298, %multiple_of3A_319] : memref<96x32768xf32, #tpu.memory_space<hbm>> -> memref<8x4096xf32, #tpu.memory_space<hbm>>
    tpu.enqueue_dma source(%arg6 : memref<8x4096xf32, #tpu.memory_space<vmem>>) target(%dma_start3A_848 : memref<8x4096xf32, #tpu.memory_space<hbm>>) target_semaphore(%arg9 : memref<!tpu.dma_semaphore, #tpu.memory_space<semaphore_mem>>)
    %dma_wait3A_849 = tpu.memref_slice %arg4[%multiple_of3A_583] : memref<96xi32, #tpu.memory_space<vmem>> -> memref<8xi32, #tpu.memory_space<vmem>>
    %dma_wait3A_850 = arith.constant 0 : i32
    %dma_wait3A_851 = tpu.memref_slice %arg2[%dma_wait3A_850, %multiple_of3A_604] : memref<128x32768xf32, #tpu.memory_space<hbm>> -> memref<128x4096xf32, #tpu.memory_space<hbm>>
    tpu.wait_indirect_dma semaphore(%arg8 : memref<!tpu.dma_semaphore, #tpu.memory_space<semaphore_mem>>) src(%dma_wait3A_851 : memref<128x4096xf32, #tpu.memory_space<hbm>>) dst(%arg7 : memref<8x4096xf32, #tpu.memory_space<vmem>>)
    %dma_start3A_852 = tpu.memref_slice %arg3[%multiple_of3A_583, %multiple_of3A_604] : memref<96x32768xf32, #tpu.memory_space<hbm>> -> memref<8x4096xf32, #tpu.memory_space<hbm>>
    %dma_start3A_853 = tpu.memref_slice %arg3[%multiple_of3A_583, %multiple_of3A_604] : memref<96x32768xf32, #tpu.memory_space<hbm>> -> memref<8x4096xf32, #tpu.memory_space<hbm>>
    tpu.enqueue_dma source(%arg7 : memref<8x4096xf32, #tpu.memory_space<vmem>>) target(%dma_start3A_853 : memref<8x4096xf32, #tpu.memory_space<hbm>>) target_semaphore(%arg9 : memref<!tpu.dma_semaphore, #tpu.memory_space<semaphore_mem>>)
    %dma_wait3A_854 = tpu.memref_slice %arg3[%multiple_of3A, %multiple_of3A_39] : memref<96x32768xf32, #tpu.memory_space<hbm>> -> memref<8x4096xf32, #tpu.memory_space<hbm>>
    %dma_wait3A_855 = tpu.memref_slice %arg3[%multiple_of3A, %multiple_of3A_39] : memref<96x32768xf32, #tpu.memory_space<hbm>> -> memref<8x4096xf32, #tpu.memory_space<hbm>>
    tpu.wait_dma2 semaphore(%arg9 : memref<!tpu.dma_semaphore, #tpu.memory_space<semaphore_mem>>) src(%arg5 : memref<8x4096xf32, #tpu.memory_space<vmem>>) dst(%dma_wait3A_855 : memref<8x4096xf32, #tpu.memory_space<hbm>>)
    %dma_wait3A_856 = tpu.memref_slice %arg3[%multiple_of3A_298, %multiple_of3A_319] : memref<96x32768xf32, #tpu.memory_space<hbm>> -> memref<8x4096xf32, #tpu.memory_space<hbm>>
    %dma_wait3A_857 = tpu.memref_slice %arg3[%multiple_of3A_298, %multiple_of3A_319] : memref<96x32768xf32, #tpu.memory_space<hbm>> -> memref<8x4096xf32, #tpu.memory_space<hbm>>
    tpu.wait_dma2 semaphore(%arg9 : memref<!tpu.dma_semaphore, #tpu.memory_space<semaphore_mem>>) src(%arg6 : memref<8x4096xf32, #tpu.memory_space<vmem>>) dst(%dma_wait3A_857 : memref<8x4096xf32, #tpu.memory_space<hbm>>)
    %dma_wait3A_858 = tpu.memref_slice %arg3[%multiple_of3A_583, %multiple_of3A_604] : memref<96x32768xf32, #tpu.memory_space<hbm>> -> memref<8x4096xf32, #tpu.memory_space<hbm>>
    %dma_wait3A_859 = tpu.memref_slice %arg3[%multiple_of3A_583, %multiple_of3A_604] : memref<96x32768xf32, #tpu.memory_space<hbm>> -> memref<8x4096xf32, #tpu.memory_space<hbm>>
    tpu.wait_dma2 semaphore(%arg9 : memref<!tpu.dma_semaphore, #tpu.memory_space<semaphore_mem>>) src(%arg7 : memref<8x4096xf32, #tpu.memory_space<vmem>>) dst(%dma_wait3A_859 : memref<8x4096xf32, #tpu.memory_space<hbm>>)
    return
  }
}

</mosaic_0001>

<sc_bundles>
// kernel: kernel.3.cloned.1.call-start
scs
__scs_entry_jumppad:
0x0: {  	(pc) =	sbr.rel $0x88, $3  }
0x1: {  	(tag) =	ssettag $0x0;
	lr =	simm.s32 $0x1  }
0x2: {  	[smem:$0x3FA0] =	sst lr;
	_ =	strace $0xD0000000  }
0x3: {  	_ = 	snop  }
0x4: {  	_ = 	snop  }
0x5: {  	_ = 	snop  }
0x6: {  	_ = 	snop  }
0x7: {  	_ = 	snop  }
__scs_overlays_trampoline_lowered:
0x8: {  	[smem:$0x3FAF] =	sst s0  }
0x9: {  	[smem:$0x3FB0] =	sst s1  }
0xa: {  	[smem:$0x3FB1] =	sst s2  }
0xb: {  	[smem:$0x3FB2] =	sst s3  }
0xc: {  	[smem:$0x3FB3] =	sst s4  }
0xd: {  	[smem:$0x3FB4] =	sst s5  }
0xe: {  	[smem:$0x3FB5] =	sst s6  }
0xf: {  	[smem:$0x3FB6] =	sst s7  }
0x10: {  	[smem:$0x3FB7] =	sst s8  }
0x11: {  	[smem:$0x3FB8] =	sst s9;
	s0 =	simm.s32 @!p0 $0x0  }
0x12: {  	s1 =	sld [smem:$0x3F9E];
	s0 =	simm.s32 @p0 $0x1  }
0x13: {  	[smem:$0x3FB9] =	sst s0;
	s0 =	simm.s32 @!p1 $0x0  }
0x14: {  	s2 =	sld [smem:$0x3F9D];
	s0 =	simm.s32 @p1 $0x1  }
0x15: {  	[smem:$0x3FBA] =	sst s0;
	s0 =	simm.s32 @!p2 $0x0  }
0x16: {  	s3 =	sld [smem:$0x3FDB];
	s0 =	simm.s32 @p2 $0x1  }
0x17: {  	s4 =	simm.s32 $0x1BF5;
	[smem:$0x3FBC] =	sst s0  }
0x18: {  	s0 =	sld [smem:$0x3F9F];
	_ =	swait.ge [sflag:s4], $0x0  }
0x19: {  	s7 =	sld [smem:$0x3FA0]  }
0x1a: {  	s8 =	sadd.s32 $0xFFFFE003, lr  }
0x1b: {  	s9 =	sadd.s32 $0xFFFFFEF7, lr;
	s5 =	simm.s32 $0xFFFFFFFF;
	p2 =	slt.u32 s8, $0xFFFFF086  }
0x1c: {  	p1 =	slt.u32 s9, $0xF7A;
	s5 =	simm.s32 @!p2 $0x0  }
0x1d: {  	s5 =	simm.s32 @p1 $0x1;
	p0 =	seq.s32 s7, s2  }
0x1e: {  	s7 =	smul.u32 @!p0 $0xF7A, s2;
	p2 =	seq.s32 @!p0 s5, $0x0  }
0x1f: {  	s9 =	smul.u32 $0xF7A, s1;
	s8 =	simm.s32 @!p0 $0x1BF5;
	p2 =	por !p2, p0  }
0x20: {  	[sflag:s8] =	ssyncset.s32 @!p0 $0xFFFFF086;
	s6 =	sadd.s32 @!p0 s3, s7;
	s7 =	simm.s32 @!p0 $0x108  }
0x21: {  	s3 =	sadd.s32 s3, s9;
	s6 =	sadd.s32 @!p0 $0x88, s6;
	s7 =	simm.s32 @p2 $0x1082  }
0x22: {  	[simem:s7], [sflag:s8] =	dma.local @!p0 [hbm:s6], $0xF7A  }
0x23: {  	s9 =	sor.u32 $0xD0000000, s2;
	s6 =	simm.s32 $0x108;
	_ =	swait.ge @!p0 [sflag:s8], $0x0  }
0x24: {  	s3 =	sadd.s32 $0x88, s3;
	s6 =	simm.s32 @!p1 $0x1082;
	[sflag:s4] =	ssyncset.s32 $0xFFFFF086  }
0x25: {  	[simem:s6], [sflag:s4] =	dma.local [hbm:s3], $0xF7A  }
0x26: {  	[smem:$0x3FA0] =	sst s1;
	(tag) =	ssettag s2;
	_ =	strace s9  }
0x27: {  	s1 =	sld [smem:$0x3FB0]  }
0x28: {  	s2 =	sld [smem:$0x3FB1]  }
0x29: {  	s4 =	sld [smem:$0x3FB3]  }
0x2a: {  	p0 =	seq.s32 s5, $0x0;
	s5 =	sld [smem:$0x3FB4]  }
0x2b: {  	s6 =	sld [smem:$0x3FB5]  }
0x2c: {  	s7 =	sld [smem:$0x3FB6]  }
0x2d: {  	s3 =	simm.s32 $0x108;
	s8 =	sld [smem:$0x3FB7]  }
0x2e: {  	s3 =	simm.s32 @!p0 $0x1082;
	s9 =	sld [smem:$0x3FB8]  }
0x2f: {  	lr =	sadd.s32 s0, s3;
	s0 =	sld [smem:$0x3FAF]  }
0x30: {  	s3 =	sld [smem:$0x3FB2]  }
0x31: {  	[smem:$0x3FBB] =	sst s10  }
0x32: {  	s10 =	sld [smem:$0x3FB9];
	_ =	sdelay $0x3  }
0x33: {  	p0 =	seq.s32 s10, $0x1;
	s10 =	sld [smem:$0x3FBB];
	_ =	sdelay $0x3  }
0x34: {  	[smem:$0x3FBB] =	sst s10  }
0x35: {  	s10 =	sld [smem:$0x3FBA];
	_ =	sdelay $0x3  }
0x36: {  	p1 =	seq.s32 s10, $0x1;
	s10 =	sld [smem:$0x3FBB];
	_ =	sdelay $0x3  }
0x37: {  	[smem:$0x3FBB] =	sst s10  }
0x38: {  	s10 =	sld [smem:$0x3FBC]  }
0x39: {  	_ = 	snop;
	(pc) =	sbr.ind lr, $3  }
0x3a: {  	_ = 	snop  }
0x3b: {  	_ = 	snop  }
0x3c: {  	p2 =	seq.s32 s10, $0x1;
	s10 =	sld [smem:$0x3FBB]  }
0x3d: {  	_ =	shalt  }
0x3e: {  	_ =	shalt  }
0x3f: {  	_ =	shalt  }
0x40: {  	_ =	shalt  }
0x41: {  	_ =	shalt  }
0x42: {  	_ =	shalt  }
0x43: {  	_ =	shalt  }
0x44: {  	_ =	shalt  }
0x45: {  	_ =	shalt  }
0x46: {  	_ =	shalt  }
0x47: {  	_ =	shalt  }
0x48: {  	_ =	shalt  }
0x49: {  	_ =	shalt  }
0x4a: {  	_ =	shalt  }
0x4b: {  	_ =	shalt  }
0x4c: {  	_ =	shalt  }
0x4d: {  	_ =	shalt  }
0x4e: {  	_ =	shalt  }
0x4f: {  	_ =	shalt  }
0x50: {  	_ =	shalt  }
0x51: {  	_ =	shalt  }
0x52: {  	_ =	shalt  }
0x53: {  	_ =	shalt  }
0x54: {  	_ =	shalt  }
0x55: {  	_ =	shalt  }
0x56: {  	_ =	shalt  }
0x57: {  	_ =	shalt  }
0x58: {  	_ =	shalt  }
0x59: {  	_ =	shalt  }
0x5a: {  	_ =	shalt  }
0x5b: {  	_ =	shalt  }
0x5c: {  	_ =	shalt  }
0x5d: {  	_ =	shalt  }
0x5e: {  	_ =	shalt  }
0x5f: {  	_ =	shalt  }
0x60: {  	_ =	shalt  }
0x61: {  	_ =	shalt  }
0x62: {  	_ =	shalt  }
0x63: {  	_ =	shalt  }
0x64: {  	_ =	shalt  }
0x65: {  	_ =	shalt  }
0x66: {  	_ =	shalt  }
0x67: {  	_ =	shalt  }
0x68: {  	_ =	shalt  }
0x69: {  	_ =	shalt  }
0x6a: {  	_ =	shalt  }
0x6b: {  	_ =	shalt  }
0x6c: {  	_ =	shalt  }
0x6d: {  	_ =	shalt  }
0x6e: {  	_ =	shalt  }
0x6f: {  	_ =	shalt  }
0x70: {  	_ =	shalt  }
0x71: {  	_ =	shalt  }
0x72: {  	_ =	shalt  }
0x73: {  	_ =	shalt  }
0x74: {  	_ =	shalt  }
0x75: {  	_ =	shalt  }
0x76: {  	_ =	shalt  }
0x77: {  	_ =	shalt  }
0x78: {  	_ =	shalt  }
0x79: {  	_ =	shalt  }
0x7a: {  	_ =	shalt  }
0x7b: {  	_ =	shalt  }
0x7c: {  	_ =	shalt  }
0x7d: {  	_ =	shalt  }
0x7e: {  	_ =	shalt  }
0x7f: {  	_ =	shalt  }
0x80: {  	_ =	shalt  }
0x81: {  	_ =	shalt  }
0x82: {  	_ =	shalt  }
0x83: {  	_ =	shalt  }
0x84: {  	_ =	shalt  }
0x85: {  	_ =	shalt  }
0x86: {  	_ =	shalt  }
0x87: {  	_ =	shalt  }
.Lfunc_end0:
.L_simem_size_0:
called_computation_lowered:
.L_overlay_start_0:
0x88: {  	s2 =	sld [smem:$0x3FD9]  }
0x89: {  	s3 =	sld [smem:$0x3FFE];
	_ =	sdelay $0x1  }
0x8a: {  	s1 =	srdreg.scid  }
0x8b: {  	s0 =	sand.u32 $0x1, s1  }
0x8c: {  	s15 =	sshll.u32 s0, $0xA;
	s2 =	sadd.s32 s3, s2  }
0x8d: {  	s2 =	sadd.s32 s2, s15  }
0x8e: {  	[smem:$0x3FC7] =	sst s2  }
0x8f: {  	_ = 	snop  }
0x90: {  	s2 =	sld [smem:$0x3FD0];
	_ =	sdelay $0x2  }
0x91: {  	s4 =	simm.s32 $0xA;
	s5 =	simm.s32 $0x10;
	s16 =	sld [smem:$0x3FC9]  }
0x92: {  	[smem:s5], [sflag:s4] =	dma.local [hbm:s2], $0x1  }
0x93: {  	_ =	swait.eq [sflag:s4], $0x1  }
0x94: {  	[sflag:s4] =	ssyncset.done $0x0  }
0x95: {  	[sflag:s4] =	ssyncadd.s32 $0xFFFFFFFF  }
0x96: {  	s17 =	sld [smem:$0x10];
	(tm) =	ssettm $0x1  }
0x97: {  	s18 =	sld [smem:$0x3FFB];
	_ =	sdelay $0x3  }
0x98: {  	_ =	strace s18  }
0x99: {  	s4 =	sld [smem:$0x3FFC];
	_ =	sdelay $0x3  }
0x9a: {  	_ =	strace s4  }
0x9b: {  	s4 =	sld [smem:$0x3FFD];
	_ =	sdelay $0x3  }
0x9c: {  	_ =	strace s4  }
0x9d: {  	_ =	strace $0x8FFFFFFF  }
0x9e: {  	s19 =	sld [smem:$0x3FDB];
	_ =	sdelay $0x1  }
0x9f: {  	s20 =	simm.s32 $_scs_section_size  }
0xa0: {  	s6 =	simm.s32 $_size__tile_overlayer_lowered;
	s7 =	simm.s32 $_tile_overlayer_lowered  }
0xa1: {  	s23 =	simm.s32 $0x1BFF;
	s22 =	sshll.u32 s7, $0x1;
	s4 =	sadd.s32 s20, s19  }
0xa2: {  	s8 =	simm.s32 $0x0;
	s21 =	sshll.u32 s6, $0x1;
	s6 =	sadd.s32 s22, s4  }
0xa3: {  	[timem:s8], [sflag:s23] =	dma.local [hbm:s6], s21  }
0xa4: {  	_ =	swait.ge [sflag:s23], s21  }
0xa5: {  	s5 =	ssub.s32 $0x0, s21;
	[sflag:s23] =	ssyncset.done $0x0  }
0xa6: {  	[sflag:s23] =	ssyncadd.s32 s5;
	_ =	sdelay $0x1  }
0xa7: {  	s24 =	simm.s32 $0x1B8B  }
0xa8: {  	_ =	swait.ge [sflag:s24], $0x1  }
0xa9: {  	[sflag:s24] =	ssyncset.done $0x0  }
0xaa: {  	s25 =	simm.s32 $0x1B8E;
	[sflag:s24] =	ssyncadd.s32 $0xFFFFFFFF  }
0xab: {  	s26 =	simm.s32 $execute0_lowered;
	[smem:$0x3FD2] =	sst s25  }
0xac: {  	s5 =	sshll.u32 s26, $0x1;
	_ =	strace $0x80000046;
	[dreg:$0x1] =	wrdreg $0xFFFFFFFF  }
0xad: {  	s28 =	simm.s32 $_size_execute0_lowered;
	s4 =	sadd.s32 s4, s5;
	[dreg:$0x0] =	wrdreg $0x0  }
0xae: {  	s5 =	sshll.u32 s28, $0x1;
	[dreg:$0x2] =	wrdreg s4  }
0xaf: {  	[dreg:$0x3] =	wrdreg s5  }
0xb0: {  	[dreg:$0x4] =	wrdreg $0xC0  }
0xb1: {  	_ =	task [dreg:s8], $0x5FFFF  }
0xb2: {  	[dreg:$0x1] =	wrdreg $0xFFFFFFFF  }
0xb3: {  	[dreg:$0x0] =	wrdreg $0x60  }
0xb4: {  	[dreg:$0x2] =	wrdreg s16  }
0xb5: {  	[dreg:$0x3] =	wrdreg s17  }
0xb6: {  	[dreg:$0x4] =	wrdreg $0x9  }
0xb7: {  	_ =	task.clear_ibuf [dreg:s8], $0x5FFFF;
	_ =	strace $0x90000046  }
0xb8: {  	s29 =	simm.s32 $0x9;
	_ =	strace $0x80000048  }
0xb9: {  	_ =	swait.ge [sflag:s29], $0x1  }
0xba: {  	[sflag:s29] =	ssyncadd.s32 $0xFFFFFFFF  }
0xbb: {  	_ =	strace $0x90000048  }
0xbc: {  	_ =	sfence  }
0xbd: {  	s30 =	sld [smem:$0x0];
	_ =	sdelay $0x2  }
0xbe: {  	s31 =	sshll.u32 s1, $0xD;
	s1 =	sshrl.u32 s1, $0x2  }
0xbf: {  	s3 =	sand.u32 $0x4000, s31;
	s1 =	sadd.s32 s1, s30  }
0xc0: {  	s0 =	sor.u32 s3, s0;
	s1 =	sshll.u32 s1, $0x11  }
0xc1: {  	s0 =	sor.u32 s1, s0  }
0xc2: {  	s0 =	sadd.s32 $0x8F2B, s0  }
0xc3: {  	[sflag:s0] =	ssyncadd.remote.s32 $0x1  }
0xc4: {  	_ =	sfence.sel $0xFFFF  }
0xc5: {  	[dreg:$0x0] =	wrdreg $0xFFFFFFFF;
	(pc) =	sbr.abs _section_cstart, $3  }
0xc6: {  	[dreg:$0x1] =	wrdreg $0xFFFFFFFF  }
0xc7: {  	_ =	task.clear_ibuf [dreg:s8], $0x2FFFF;
	_ =	strace $0x9FFFFFFF  }
0xc8: {  	(tm) =	ssettm $0x7FFFFFFF  }
0xc9: {  	_ =	shalt  }
tec
execute0_lowered:
.L_overlay_start_1:
0x0: {  	(tag) =	ssettag $0x1  }
0x1: {  	s11 =	rddreg [dreg:$0x0]  }
0x2: {  	s8 =	rddreg [dreg:$0x1]  }
0x3: {  	s0 =	rddreg [dreg:$0x2];
	s2 =	simm.s32 $0x0  }
0x4: {  	s20 =	simm.s32 $0x880;
	[smem:$0x7FF] =	sst s2  }
0x5: {  	s22 =	simm.s32 $0x1080;
	_ =	strace $0x80000047;
	[dreg:$0x7] =	wrdreg s20  }
0x6: {  	s23 =	simm.s32 $0x1880;
	[dreg:$0x9] =	wrdreg s22  }
0x7: {  	s24 =	simm.s32 $0x2080;
	[dreg:$0xa] =	wrdreg s23  }
0x8: {  	s25 =	simm.s32 $0x2880;
	[dreg:$0xb] =	wrdreg s24  }
0x9: {  	s26 =	simm.s32 $0x3080;
	[dreg:$0xc] =	wrdreg s25  }
0xa: {  	s28 =	simm.s32 $0x3880;
	[dreg:$0xd] =	wrdreg s26  }
0xb: {  	s29 =	simm.s32 $0x4080;
	[dreg:$0xe] =	wrdreg s28  }
0xc: {  	s30 =	simm.s32 $0x4880;
	[dreg:$0xf] =	wrdreg s29  }
0xd: {  	s31 =	simm.s32 $0x5080;
	[dreg:$0x10] =	wrdreg s30  }
0xe: {  	s3 =	srdreg.scid;
	s16 =	simm.s32 $0x7080;
	[dreg:$0x11] =	wrdreg s31  }
0xf: {  	s1 =	stileid.u32;
	[dreg:$0x15] =	wrdreg s16;
	s20 =	simm.s32 $0x9880  }
0x10: {  	s13 =	sand.u32 $0x1, s3;
	s22 =	simm.s32 $0xA880;
	[dreg:$0x19] =	wrdreg s20  }
0x11: {  	s7 =	sshll.u32 s1, $0x1;
	s23 =	simm.s32 $0xB080;
	[dreg:$0x1b] =	wrdreg s22  }
0x12: {  	s6 =	sshrl.u32 s1, $0x2;
	s24 =	simm.s32 $0xB880;
	[dreg:$0x1c] =	wrdreg s23  }
0x13: {  	s4 =	sor.u32 s13, s7;
	s25 =	simm.s32 $0xC080;
	[dreg:$0x1d] =	wrdreg s24  }
0x14: {  	s3 =	sshll.u32 s6, $0x3;
	s26 =	simm.s32 $0xC880;
	[dreg:$0x1e] =	wrdreg s25  }
0x15: {  	s6 =	sshll.u32 s6, $0xF;
	s28 =	simm.s32 $0xD080;
	[dreg:$0x1f] =	wrdreg s26  }
0x16: {  	s7 =	sand.u32 $0x10, s7;
	s29 =	simm.s32 $0xD880;
	[smem:$0x7E9] =	sst s28  }
0x17: {  	s30 =	simm.s32 $0xE080;
	s31 =	simm.s32 $0xE880;
	[smem:$0x7EA] =	sst s29  }
0x18: {  	s16 =	simm.s32 $0x10880;
	s5 =	sshll.u32 s4, $0xC;
	[smem:$0x7EB] =	sst s30  }
0x19: {  	s9 =	sshll.u32 s4, $0xF;
	s4 =	sor.u32 $0x20, s3;
	[smem:$0x7EC] =	sst s31  }
0x1a: {  	s6 =	sadd.s32 s8, s6;
	[smem:$0x7EF] =	sst s16;
	s20 =	simm.s32 $0x12880  }
0x1b: {  	s22 =	simm.s32 $0x13080;
	s23 =	simm.s32 $0x13880;
	[smem:$0x7F3] =	sst s20  }
0x1c: {  	s24 =	simm.s32 $0x14080;
	s25 =	simm.s32 $0x14880;
	[smem:$0x7F4] =	sst s22  }
0x1d: {  	s26 =	simm.s32 $0x15080;
	s28 =	simm.s32 $0x15880;
	[smem:$0x7F5] =	sst s23  }
0x1e: {  	v3 =	vlaneseq.u32;
	s29 =	simm.s32 $0x16080;
	s30 =	simm.s32 $0x16880;
	[smem:$0x7F6] =	sst s24  }
0x1f: {  	v2 =	vimm.s32 $0x0;
	v1 =	vor.u32 s7, v3;
	s16 =	simm.s32 $0x17080;
	s14 =	sand.u32 $0x7000, s5;
	[smem:$0x7F7] =	sst s25  }
0x20: {  	v7 =	vadd.s32 $0xB, v3;
	v0 =	vmov s7;
	s17 =	sadd.s32 $0x8000, s9;
	s5 =	sor.u32 $0x40, s3;
	vm0 =	vgt.u32 v1, $0x1;
	[smem:$0x7F8] =	sst s26  }
0x21: {  	s9 =	sadd.s32 $0x10000, s9;
	s18 =	sshll.u32 s4, $0xF;
	v0 =	vshrl.u32 v0, $0x4;
	[smem:$0x7F9] =	sst s28;
	v4 =	vsel vm0, $0x1, v2;
	vm0 =	vgt.u32 v1, $0x2  }
0x22: {  	s10 =	sand.u32 $0x38000, s17;
	s12 =	sand.u32 $0x38000, s9;
	s15 =	sshll.u32 s5, $0xF;
	v0 =	vor.u32 s7, v0;
	v5 =	vsel vm0, $0x1, v2;
	vm0 =	vgt.u32 v1, $0x4  }
0x23: {  	[smem:$0x7FA] =	sst s29;
	s9 =	sor.u32 s18, s10;
	s15 =	sor.u32 s15, s12;
	v0 =	vadd.s32 v4, v0;
	v4 =	vsel vm0, $0x2, v2;
	vm0 =	vgt.u32 v1, $0x8  }
0x24: {  	[smem:$0x7FB] =	sst s30;
	s9 =	sshrl.u32 s9, $0x3;
	s15 =	sshrl.u32 s15, $0x3;
	v0 =	vadd.s32 v5, v0;
	v5 =	vsel vm0, $0x2, v2;
	vm0 =	vgt.u32 v1, $0xA  }
0x25: {  	[smem:$0x7FC] =	sst s16;
	s9 =	sadd.s32 s8, s9;
	s8 =	sadd.s32 s8, s15;
	v0 =	vadd.s32 v4, v0;
	v4 =	vsel vm0, $0x1, v2;
	vm0 =	vgt.u32 v1, $0xE  }
0x26: {  	s31 =	simm.s32 $0x17880;
	[dreg:$0x5] =	wrdreg s8;
	v0 =	vadd.s32 v5, v0;
	s8 =	sand.u32 $0x30, s4;
	v5 =	vsel vm0, $0x1, v2;
	vm0 =	vgt.u32 v1, $0x15  }
0x27: {  	[smem:$0x7FD] =	sst s31;
	s6 =	sadd.s32 s14, s6;
	v0 =	vadd.s32 v4, v0;
	v4 =	vor.u32 s8, v3;
	v1 =	vsel vm0, $0x1, v2  }
0x28: {  	[dreg:$0x3] =	wrdreg s6;
	v0 =	vadd.s32 v5, v0;
	v5 =	vadd.s32 $0x1, v3;
	vm0 =	vgt.u32 v4, $0x21  }
0x29: {  	[dreg:$0x4] =	wrdreg s9;
	s9 =	simm.s32 $0x5880;
	v0 =	vadd.s32 v1, v0;
	v1 =	vsel vm0, $0x1, v2;
	vm0 =	vgt.u32 v4, $0x32  }
0x2a: {  	s17 =	simm.s32 $0x7880;
	[dreg:$0x12] =	wrdreg s9;
	s9 =	sand.u32 $0x50, s5;
	v0 =	vadd.s32 v5, v0;
	v5 =	vsel vm0, $0x2, v2;
	vm0 =	vgt.u32 v4, $0x38  }
0x2b: {  	s6 =	sadd.s32 s11, s14;
	s14 =	simm.s32 $0x6080;
	[dreg:$0x16] =	wrdreg s17;
	v4 =	vor.u32 s9, v3;
	v1 =	vor.u32 s8, v1;
	v6 =	vsel vm0, $0x1, v2  }
0x2c: {  	s18 =	simm.s32 $0x8880;
	[dreg:$0x13] =	wrdreg s14;
	vm0 =	vgt.u32 v4, $0x4A;
	v1 =	vor.u32 v5, v1;
	v5 =	vadd.s32 $0xF, v3  }
0x2d: {  	s17 =	simm.s32 $0x11080;
	[dreg:$0x17] =	wrdreg s18;
	v8 =	vsel vm0, $0x1, v2;
	vm0 =	vgt.u32 v4, $0x4E;
	v1 =	vadd.s32 v6, v1  }
0x2e: {  	s19 =	sadd.s32 $0x100, s6;
	[smem:$0x7F0] =	sst s17;
	v8 =	vor.u32 s9, v8;
	v9 =	vsel vm0, $0x2, v2;
	vm0 =	vgt.u32 v4, $0x51  }
0x2f: {  	s13 =	ssub.s32 $0x2, s13;
	s21 =	sadd.s32 $0x200, s6;
	[dreg:$0x6] =	wrdreg s19;
	v8 =	vor.u32 v9, v8;
	v57 =	vsel vm0, $0x2, v2;
	vm0 =	vgt.u32 v4, $0x52  }
0x30: {  	s16 =	simm.s32 $0x1;
	s14 =	simm.s32 $0xF080;
	[dreg:$0x8] =	wrdreg s21;
	v8 =	vadd.s32 v57, v8;
	v58 =	vsel vm0, $0x1, v2;
	vm0 =	vgt.u32 v4, $0x53  }
0x31: {  	s10 =	sshrl.u32 s10, $0x3;
	s18 =	simm.s32 $0x11880;
	[smem:$0x7ED] =	sst s14;
	v8 =	vadd.s32 v58, v8;
	v59 =	vsel vm0, $0x1, v2;
	vm0 =	vgt.u32 v4, $0x55  }
0x32: {  	s12 =	sshrl.u32 s12, $0x3;
	s15 =	simm.s32 $0x6880;
	[smem:$0x7F1] =	sst s18;
	v8 =	vadd.s32 v59, v8;
	v60 =	vsel vm0, $0x4, v2;
	vm0 =	vgt.u32 v4, $0x57  }
0x33: {  	s10 =	sadd.s32 s11, s10;
	s19 =	simm.s32 $0x9080;
	[dreg:$0x14] =	wrdreg s15;
	v8 =	vadd.s32 v60, v8;
	v61 =	vsel vm0, $0x1, v2;
	vm0 =	vgt.u32 v4, $0x58  }
0x34: {  	s11 =	sadd.s32 s11, s12;
	s21 =	simm.s32 $0xA080;
	[dreg:$0x18] =	wrdreg s19;
	v8 =	vadd.s32 v61, v8;
	v62 =	vsel vm0, $0x3, v2;
	vm0 =	vgt.u32 v4, $0x5B  }
0x35: {  	s17 =	simm.s32 $0x2;
	[dreg:$0x1a] =	wrdreg s21;
	s15 =	simm.s32 $0xF880;
	v8 =	vadd.s32 v62, v8;
	v63 =	vsel vm0, $0x1, v2;
	vm0 =	vgt.u32 v4, $0x5D  }
0x36: {  	s19 =	simm.s32 $0x12080;
	s21 =	sshrl.u32 s13, $0x1;
	[smem:$0x7EE] =	sst s15;
	v1 =	vadd.s32 v7, v1;
	v4 =	vadd.s32 v63, v8;
	v2 =	vsel vm0, $0x1, v2  }
0x37: {  	s14 =	simm.s32 $0x8080;
	[smem:$0x7F2] =	sst s19;
	s13 =	ssub.s32 s13, s21;
	vm0 =	vmmov $0xffff;
	v2 =	vadd.s32 v2, v4;
	v4 =	vshrl.u32 v3, $0x3  }
0x38: {  	s15 =	simm.s32 $0x10080;
	s12 =	smax.u32 s13, $0x1;
	s13 =	simm.s32 $0x80;
	v3 =	vand.u32 $0x7, v3;
	v2 =	vadd.s32 v5, v2;
	v4 =	vmul.u32 $0x8, v4  }
.LBB2_1:
0x39: {  	[tilespmem:s7+$0x0] =	vst v0  }
0x3a: {  	v5 =	vld.msk [tilespmem:s3+$0x0], $0xff;
	_ =	sdelay $0x4  }
0x3b: {  	v6 =	vshll.u32 v5, $0x8  }
0x3c: {  	v5 =	vand.u32 $0x7, v5;
	v6 =	vand.u32 $0xFFFFF800, v6  }
0x3d: {  	v5 =	vor.u32 v5, v6  }
0x3e: {  	v5 =	vperm.xlane v5, v3;
	_ =	sdelay $0x1  }
0x3f: {  	v5 =	vadd.s32 v4, v5;
	_ =	sdelay $0x2  }
0x40: {  	s18 =	rddreg [dreg:$0x6]  }
0x41: {  	s19 =	rddreg [dreg:$0x7]  }
0x42: {  	[tilespmem:s13], [sflag:$0x1] =	stream.indirect_vreg.gather [hbm4b:s6+s2], $0x80, v5, vm0, $0xb8;
	[tilespmem:$0x18080] =	vst v63  }
0x43: {  	s20 =	rddreg [dreg:$0x8]  }
0x44: {  	[tilespmem:s19], [sflag:$0x1] =	stream.indirect_vreg.gather [hbm4b:s18+s2], $0x80, v5, vm0, $0xb8;
	[tilespmem:$0x18080] =	vst v63  }
0x45: {  	s21 =	rddreg [dreg:$0x9]  }
0x46: {  	[tilespmem:s21], [sflag:$0x1] =	stream.indirect_vreg.gather [hbm4b:s20+s2], $0x80, v5, vm0, $0xb8;
	[tilespmem:$0x18080] =	vst v63  }
0x47: {  	s22 =	rddreg [dreg:$0xa];
	s23 =	sadd.s32 $0x300, s6  }
0x48: {  	[tilespmem:s22], [sflag:$0x1] =	stream.indirect_vreg.gather [hbm4b:s23+s2], $0x80, v5, vm0, $0xb8;
	[tilespmem:$0x18080] =	vst v63  }
0x49: {  	s24 =	rddreg [dreg:$0xb];
	s25 =	sadd.s32 $0x400, s6  }
0x4a: {  	[tilespmem:s24], [sflag:$0x1] =	stream.indirect_vreg.gather [hbm4b:s25+s2], $0x80, v5, vm0, $0xb8;
	[tilespmem:$0x18080] =	vst v63  }
0x4b: {  	s26 =	rddreg [dreg:$0xc];
	s28 =	sadd.s32 $0x500, s6  }
0x4c: {  	[tilespmem:s26], [sflag:$0x1] =	stream.indirect_vreg.gather [hbm4b:s28+s2], $0x80, v5, vm0, $0xb8;
	[tilespmem:$0x18080] =	vst v63  }
0x4d: {  	s29 =	rddreg [dreg:$0xd];
	s30 =	sadd.s32 $0x600, s6  }
0x4e: {  	[tilespmem:s29], [sflag:$0x1] =	stream.indirect_vreg.gather [hbm4b:s30+s2], $0x80, v5, vm0, $0xb8;
	[tilespmem:$0x18080] =	vst v63  }
0x4f: {  	s31 =	rddreg [dreg:$0xe];
	s21 =	sadd.s32 $0x700, s6  }
0x50: {  	[tilespmem:s31], [sflag:$0x1] =	stream.indirect_vreg.gather [hbm4b:s21+s2], $0x80, v5, vm0, $0xb8;
	[tilespmem:$0x18080] =	vst v63  }
0x51: {  	s22 =	rddreg [dreg:$0xf];
	s23 =	sadd.s32 $0x800, s6  }
0x52: {  	[tilespmem:s22], [sflag:$0x1] =	stream.indirect_vreg.gather [hbm4b:s23+s2], $0x80, v5, vm0, $0xb8;
	[tilespmem:$0x18080] =	vst v63  }
0x53: {  	s24 =	rddreg [dreg:$0x10];
	s25 =	sadd.s32 $0x900, s6  }
0x54: {  	[tilespmem:s24], [sflag:$0x1] =	stream.indirect_vreg.gather [hbm4b:s25+s2], $0x80, v5, vm0, $0xb8;
	[tilespmem:$0x18080] =	vst v63  }
0x55: {  	s26 =	rddreg [dreg:$0x11];
	s28 =	sadd.s32 $0xA00, s6  }
0x56: {  	[tilespmem:s26], [sflag:$0x1] =	stream.indirect_vreg.gather [hbm4b:s28+s2], $0x80, v5, vm0, $0xb8;
	[tilespmem:$0x18080] =	vst v63  }
0x57: {  	s29 =	rddreg [dreg:$0x12];
	s30 =	sadd.s32 $0xB00, s6  }
0x58: {  	[tilespmem:s29], [sflag:$0x1] =	stream.indirect_vreg.gather [hbm4b:s30+s2], $0x80, v5, vm0, $0xb8;
	[tilespmem:$0x18080] =	vst v63  }
0x59: {  	s31 =	rddreg [dreg:$0x13];
	s21 =	sadd.s32 $0xC00, s6  }
0x5a: {  	[tilespmem:s31], [sflag:$0x1] =	stream.indirect_vreg.gather [hbm4b:s21+s2], $0x80, v5, vm0, $0xb8;
	[tilespmem:$0x18080] =	vst v63  }
0x5b: {  	s22 =	rddreg [dreg:$0x14];
	s23 =	sadd.s32 $0xD00, s6  }
0x5c: {  	[tilespmem:s22], [sflag:$0x1] =	stream.indirect_vreg.gather [hbm4b:s23+s2], $0x80, v5, vm0, $0xb8;
	[tilespmem:$0x18080] =	vst v63  }
0x5d: {  	s24 =	rddreg [dreg:$0x15];
	s25 =	sadd.s32 $0xE00, s6  }
0x5e: {  	[tilespmem:s24], [sflag:$0x1] =	stream.indirect_vreg.gather [hbm4b:s25+s2], $0x80, v5, vm0, $0xb8;
	[tilespmem:$0x18080] =	vst v63  }
0x5f: {  	s26 =	rddreg [dreg:$0x16];
	s28 =	sadd.s32 $0xF00, s6  }
0x60: {  	[tilespmem:s26], [sflag:$0x1] =	stream.indirect_vreg.gather [hbm4b:s28+s2], $0x80, v5, vm0, $0xb8;
	[tilespmem:$0x18080] =	vst v63  }
0x61: {  	[tilespmem:s8+$0x0] =	vst v1  }
0x62: {  	v5 =	vld.msk [tilespmem:s4+$0x0], $0xff;
	_ =	sdelay $0x4  }
0x63: {  	v6 =	vshll.u32 v5, $0x8  }
0x64: {  	v5 =	vand.u32 $0x7, v5;
	v6 =	vand.u32 $0xFFFFF800, v6  }
0x65: {  	v5 =	vor.u32 v5, v6  }
0x66: {  	v5 =	vperm.xlane v5, v3;
	_ =	sdelay $0x1  }
0x67: {  	v5 =	vadd.s32 v4, v5;
	_ =	sdelay $0x3  }
0x68: {  	s29 =	rddreg [dreg:$0x17]  }
0x69: {  	[tilespmem:s14], [sflag:$0x1] =	stream.indirect_vreg.gather [hbm4b:s10+s2], $0x80, v5, vm0, $0xb8;
	[tilespmem:$0x18080] =	vst v63  }
0x6a: {  	s30 =	sadd.s32 $0x100, s10;
	s31 =	rddreg [dreg:$0x18]  }
0x6b: {  	[tilespmem:s29], [sflag:$0x1] =	stream.indirect_vreg.gather [hbm4b:s30+s2], $0x80, v5, vm0, $0xb8;
	[tilespmem:$0x18080] =	vst v63  }
0x6c: {  	s21 =	sadd.s32 $0x200, s10;
	s22 =	rddreg [dreg:$0x19]  }
0x6d: {  	[tilespmem:s31], [sflag:$0x1] =	stream.indirect_vreg.gather [hbm4b:s21+s2], $0x80, v5, vm0, $0xb8;
	[tilespmem:$0x18080] =	vst v63  }
0x6e: {  	s23 =	sadd.s32 $0x300, s10;
	s24 =	rddreg [dreg:$0x1a]  }
0x6f: {  	[tilespmem:s22], [sflag:$0x1] =	stream.indirect_vreg.gather [hbm4b:s23+s2], $0x80, v5, vm0, $0xb8;
	[tilespmem:$0x18080] =	vst v63  }
0x70: {  	s25 =	sadd.s32 $0x400, s10;
	s26 =	rddreg [dreg:$0x1b]  }
0x71: {  	[tilespmem:s24], [sflag:$0x1] =	stream.indirect_vreg.gather [hbm4b:s25+s2], $0x80, v5, vm0, $0xb8;
	[tilespmem:$0x18080] =	vst v63  }
0x72: {  	s28 =	sadd.s32 $0x500, s10;
	s29 =	rddreg [dreg:$0x1c]  }
0x73: {  	[tilespmem:s26], [sflag:$0x1] =	stream.indirect_vreg.gather [hbm4b:s28+s2], $0x80, v5, vm0, $0xb8;
	[tilespmem:$0x18080] =	vst v63  }
0x74: {  	s30 =	sadd.s32 $0x600, s10;
	s31 =	rddreg [dreg:$0x1d]  }
0x75: {  	[tilespmem:s29], [sflag:$0x1] =	stream.indirect_vreg.gather [hbm4b:s30+s2], $0x80, v5, vm0, $0xb8;
	[tilespmem:$0x18080] =	vst v63  }
0x76: {  	s21 =	sadd.s32 $0x700, s10;
	s22 =	rddreg [dreg:$0x1e]  }
0x77: {  	[tilespmem:s31], [sflag:$0x1] =	stream.indirect_vreg.gather [hbm4b:s21+s2], $0x80, v5, vm0, $0xb8;
	[tilespmem:$0x18080] =	vst v63  }
0x78: {  	s23 =	sadd.s32 $0x800, s10;
	s24 =	rddreg [dreg:$0x1f]  }
0x79: {  	[tilespmem:s22], [sflag:$0x1] =	stream.indirect_vreg.gather [hbm4b:s23+s2], $0x80, v5, vm0, $0xb8;
	[tilespmem:$0x18080] =	vst v63  }
0x7a: {  	s25 =	sadd.s32 $0x900, s10;
	s26 =	sld [smem:$0x7E9]  }
0x7b: {  	[tilespmem:s24], [sflag:$0x1] =	stream.indirect_vreg.gather [hbm4b:s25+s2], $0x80, v5, vm0, $0xb8;
	[tilespmem:$0x18080] =	vst v63  }
0x7c: {  	s28 =	sadd.s32 $0xA00, s10;
	s29 =	sld [smem:$0x7EA]  }
0x7d: {  	[tilespmem:s26], [sflag:$0x1] =	stream.indirect_vreg.gather [hbm4b:s28+s2], $0x80, v5, vm0, $0xb8;
	[tilespmem:$0x18080] =	vst v63  }
0x7e: {  	s30 =	sadd.s32 $0xB00, s10;
	s31 =	sld [smem:$0x7EB]  }
0x7f: {  	[tilespmem:s29], [sflag:$0x1] =	stream.indirect_vreg.gather [hbm4b:s30+s2], $0x80, v5, vm0, $0xb8;
	[tilespmem:$0x18080] =	vst v63  }
0x80: {  	s21 =	sadd.s32 $0xC00, s10;
	s22 =	sld [smem:$0x7EC]  }
0x81: {  	[tilespmem:s31], [sflag:$0x1] =	stream.indirect_vreg.gather [hbm4b:s21+s2], $0x80, v5, vm0, $0xb8;
	[tilespmem:$0x18080] =	vst v63  }
0x82: {  	s23 =	sadd.s32 $0xD00, s10;
	s24 =	sld [smem:$0x7ED]  }
0x83: {  	[tilespmem:s22], [sflag:$0x1] =	stream.indirect_vreg.gather [hbm4b:s23+s2], $0x80, v5, vm0, $0xb8;
	[tilespmem:$0x18080] =	vst v63  }
0x84: {  	s25 =	sadd.s32 $0xE00, s10;
	s26 =	sld [smem:$0x7EE]  }
0x85: {  	[tilespmem:s24], [sflag:$0x1] =	stream.indirect_vreg.gather [hbm4b:s25+s2], $0x80, v5, vm0, $0xb8;
	[tilespmem:$0x18080] =	vst v63  }
0x86: {  	s28 =	sadd.s32 $0xF00, s10  }
0x87: {  	[tilespmem:s26], [sflag:$0x1] =	stream.indirect_vreg.gather [hbm4b:s28+s2], $0x80, v5, vm0, $0xb8;
	[tilespmem:$0x18080] =	vst v63  }
0x88: {  	[tilespmem:s9+$0x0] =	vst v2  }
0x89: {  	v5 =	vld.msk [tilespmem:s5+$0x0], $0xff;
	_ =	sdelay $0x4  }
0x8a: {  	v6 =	vshll.u32 v5, $0x8  }
0x8b: {  	v5 =	vand.u32 $0x7, v5;
	v6 =	vand.u32 $0xFFFFF800, v6  }
0x8c: {  	v5 =	vor.u32 v5, v6  }
0x8d: {  	v5 =	vperm.xlane v5, v3;
	_ =	sdelay $0x1  }
0x8e: {  	v5 =	vadd.s32 v4, v5;
	_ =	sdelay $0x3  }
0x8f: {  	s29 =	sld [smem:$0x7EF]  }
0x90: {  	[tilespmem:s15], [sflag:$0x1] =	stream.indirect_vreg.gather [hbm4b:s11+s2], $0x80, v5, vm0, $0xb8;
	[tilespmem:$0x18080] =	vst v63  }
0x91: {  	s30 =	sadd.s32 $0x100, s11;
	s31 =	sld [smem:$0x7F0]  }
0x92: {  	[tilespmem:s29], [sflag:$0x1] =	stream.indirect_vreg.gather [hbm4b:s30+s2], $0x80, v5, vm0, $0xb8;
	[tilespmem:$0x18080] =	vst v63  }
0x93: {  	s21 =	sadd.s32 $0x200, s11;
	s22 =	sld [smem:$0x7F1]  }
0x94: {  	[tilespmem:s31], [sflag:$0x1] =	stream.indirect_vreg.gather [hbm4b:s21+s2], $0x80, v5, vm0, $0xb8;
	[tilespmem:$0x18080] =	vst v63  }
0x95: {  	s23 =	sadd.s32 $0x300, s11;
	s24 =	sld [smem:$0x7F2]  }
0x96: {  	[tilespmem:s22], [sflag:$0x1] =	stream.indirect_vreg.gather [hbm4b:s23+s2], $0x80, v5, vm0, $0xb8;
	[tilespmem:$0x18080] =	vst v63  }
0x97: {  	s25 =	sadd.s32 $0x400, s11;
	s26 =	sld [smem:$0x7F3]  }
0x98: {  	[tilespmem:s24], [sflag:$0x1] =	stream.indirect_vreg.gather [hbm4b:s25+s2], $0x80, v5, vm0, $0xb8;
	[tilespmem:$0x18080] =	vst v63  }
0x99: {  	s28 =	sadd.s32 $0x500, s11;
	s29 =	sld [smem:$0x7F4]  }
0x9a: {  	[tilespmem:s26], [sflag:$0x1] =	stream.indirect_vreg.gather [hbm4b:s28+s2], $0x80, v5, vm0, $0xb8;
	[tilespmem:$0x18080] =	vst v63  }
0x9b: {  	s30 =	sadd.s32 $0x600, s11;
	s31 =	sld [smem:$0x7F5]  }
0x9c: {  	[tilespmem:s29], [sflag:$0x1] =	stream.indirect_vreg.gather [hbm4b:s30+s2], $0x80, v5, vm0, $0xb8;
	[tilespmem:$0x18080] =	vst v63  }
0x9d: {  	s21 =	sadd.s32 $0x700, s11;
	s22 =	sld [smem:$0x7F6]  }
0x9e: {  	[tilespmem:s31], [sflag:$0x1] =	stream.indirect_vreg.gather [hbm4b:s21+s2], $0x80, v5, vm0, $0xb8;
	[tilespmem:$0x18080] =	vst v63  }
0x9f: {  	s23 =	sadd.s32 $0x800, s11;
	s24 =	sld [smem:$0x7F7]  }
0xa0: {  	[tilespmem:s22], [sflag:$0x1] =	stream.indirect_vreg.gather [hbm4b:s23+s2], $0x80, v5, vm0, $0xb8;
	[tilespmem:$0x18080] =	vst v63  }
0xa1: {  	s25 =	sadd.s32 $0x900, s11;
	s26 =	sld [smem:$0x7F8]  }
0xa2: {  	[tilespmem:s24], [sflag:$0x1] =	stream.indirect_vreg.gather [hbm4b:s25+s2], $0x80, v5, vm0, $0xb8;
	[tilespmem:$0x18080] =	vst v63  }
0xa3: {  	s28 =	sadd.s32 $0xA00, s11;
	s29 =	sld [smem:$0x7F9]  }
0xa4: {  	[tilespmem:s26], [sflag:$0x1] =	stream.indirect_vreg.gather [hbm4b:s28+s2], $0x80, v5, vm0, $0xb8;
	[tilespmem:$0x18080] =	vst v63  }
0xa5: {  	s30 =	sadd.s32 $0xB00, s11;
	s31 =	sld [smem:$0x7FA]  }
0xa6: {  	[tilespmem:s29], [sflag:$0x1] =	stream.indirect_vreg.gather [hbm4b:s30+s2], $0x80, v5, vm0, $0xb8;
	[tilespmem:$0x18080] =	vst v63  }
0xa7: {  	s21 =	sadd.s32 $0xC00, s11;
	s22 =	sld [smem:$0x7FB]  }
0xa8: {  	[tilespmem:s31], [sflag:$0x1] =	stream.indirect_vreg.gather [hbm4b:s21+s2], $0x80, v5, vm0, $0xb8;
	[tilespmem:$0x18080] =	vst v63  }
0xa9: {  	s23 =	sadd.s32 $0xD00, s11;
	s24 =	sld [smem:$0x7FC]  }
0xaa: {  	[tilespmem:s22], [sflag:$0x1] =	stream.indirect_vreg.gather [hbm4b:s23+s2], $0x80, v5, vm0, $0xb8;
	[tilespmem:$0x18080] =	vst v63  }
0xab: {  	s25 =	sadd.s32 $0xE00, s11;
	s26 =	sld [smem:$0x7FD]  }
0xac: {  	[tilespmem:s24], [sflag:$0x1] =	stream.indirect_vreg.gather [hbm4b:s25+s2], $0x80, v5, vm0, $0xb8;
	[tilespmem:$0x18080] =	vst v63  }
0xad: {  	s28 =	sadd.s32 $0xF00, s11  }
0xae: {  	[tilespmem:s26], [sflag:$0x1] =	stream.indirect_vreg.gather [hbm4b:s28+s2], $0x80, v5, vm0, $0xb8;
	[tilespmem:$0x18080] =	vst v63  }
0xaf: {  	_ =	swait.ge [sflag:s16], $0x8000  }
0xb0: {  	[sflag:s16] =	ssyncset.done $0x0  }
0xb1: {  	s29 =	rddreg [dreg:$0x3];
	[sflag:s16] =	ssyncadd.s32 $0xFFFF8000  }
0xb2: {  	[hbm4b:s29+s2] =	stream.linear.scatter [tilespmem:s13], [sflag:$0x2], $0x8000, $0x38;
	[tilespmem:$0x18080] =	vst v63  }
0xb3: {  	_ =	swait.ge [sflag:s16], $0x8000  }
0xb4: {  	[sflag:s16] =	ssyncset.done $0x0  }
0xb5: {  	s30 =	rddreg [dreg:$0x4];
	[sflag:s16] =	ssyncadd.s32 $0xFFFF8000  }
0xb6: {  	[hbm4b:s30+s2] =	stream.linear.scatter [tilespmem:s14], [sflag:$0x2], $0x8000, $0x38;
	[tilespmem:$0x18080] =	vst v63  }
0xb7: {  	_ =	swait.ge [sflag:s16], $0x8000  }
0xb8: {  	[sflag:s16] =	ssyncset.done $0x0  }
0xb9: {  	s31 =	rddreg [dreg:$0x5];
	[sflag:s16] =	ssyncadd.s32 $0xFFFF8000  }
0xba: {  	[hbm4b:s31+s2] =	stream.linear.scatter [tilespmem:s15], [sflag:$0x2], $0x8000, $0x38;
	[tilespmem:$0x18080] =	vst v63  }
0xbb: {  	_ =	swait.ge [sflag:s17], $0x8000  }
0xbc: {  	[sflag:s17] =	ssyncset.done $0x0  }
0xbd: {  	[sflag:s17] =	ssyncadd.s32 $0xFFFF8000  }
0xbe: {  	p0 =	sne.s32 s12, $0x1;
	_ =	swait.ge [sflag:s17], $0x8000  }
.Ltmp0:
0xbf: {  	[sflag:s17] =	ssyncset.done $0x0;
	(pc) =	sbr.rel @p0 .LBB2_1-.Ltmp0, $4  }
0xc0: {  	[sflag:s17] =	ssyncadd.s32 $0xFFFF8000  }
0xc1: {  	_ =	swait.ge [sflag:s17], $0x8000  }
0xc2: {  	[sflag:s17] =	ssyncset.done $0x0  }
0xc3: {  	s12 =	sadd.s32 $0xFFFFFFFF, s12;
	[sflag:s17] =	ssyncadd.s32 $0xFFFF8000  }
0xc4: {  	_ =	sfence.sel $0x180000  }
0xc5: {  	[bflag:$0x0] =	sbarrier.arrive $0xFFFF  }
0xc6: {  	p0 =	sne.s32 s1, $0x0;
	_ =	strace $0x90000047  }
0xc7: {  	s0 =	sadd.s32 @!p0 $0x100000, s0;
	[bflag:$0x2] =	sbarrier.arrive $0xFFFF  }
0xc8: {  	[sflag:s0] =	ssyncadd.tile.s32 @!p0 $0x1;
	_ =	shalt  }
.Lfunc_end2:
_tile_overlayer_lowered:
.L_overlay_start_2:
0xc9: {  	(tag) =	ssettag $0x2  }
0xca: {  	s0 =	rddreg [dreg:$0x0];
	s2 =	stileid.u32  }
0xcb: {  	s1 =	rddreg [dreg:$0x1];
	p0 =	sne.s32 s2, $0x0  }
0xcc: {  	s3 =	rddreg [dreg:$0x2];
	[bflag:$0x3] =	sbarrier.arrive $0xFFFF;
	s2 =	simm.s32 @!p0 $0x1C03  }
0xcd: {  	[timem:s3], [sflag:s2] =	dma.local @!p0 [hbm:s0], s1  }
0xce: {  	s0 =	simm.s32 @!p0 $0x3  }
0xcf: {  	_ =	swait.ge @!p0 [sflag:s0], s1  }
0xd0: {  	s1 =	ssub.s32 @!p0 $0x0, s1;
	[sflag:s0] =	ssyncset.done @!p0 $0x0  }
0xd1: {  	[sflag:s0] =	ssyncadd.s32 @!p0 s1  }
0xd2: {  	[bflag:$0x3] =	sbarrier.arrive $0xFFFF  }
0xd3: {  	_ =	shalt  }

</sc_bundles>
